<compile_context>
chip_gen: v7x
topology: tpu7x:2x2x1
jax: 0.10.2.dev20260603
libtpu: 0.0.44.dev20260713+nightly
codegen_flags: <defaults>
</compile_context>

<pallas_src>
import functools

import jax
import jax.numpy as jnp
from jax import lax
from jax.experimental import pallas as pl
from jax.experimental.pallas import tpu as pltpu
from jax.experimental.pallas import tpu_sc as plsc

THRESH = 1.0
GAP = 5
T = 512
L = 16
NC = 2
NS = 16
NW = NC * NS
ROWS = 32768
SPLIT = 11264
ROWS_PER_W = (ROWS - SPLIT) // NW
RB = 32
NBLK = ROWS_PER_W // RB
NCH = T // L
BIG = 1 << 22
RTC = 256

_GDN = lax.GatherDimensionNumbers(
    offset_dims=(), collapsed_slice_dims=(0,), start_index_map=(0,)
)


def _vgather(x, idx):
    return lax.gather(
        x,
        idx[:, None],
        _GDN,
        slice_sizes=(1,),
        mode=lax.GatherScatterMode.PROMISE_IN_BOUNDS,
    )


def _splat_last(x):
    return _vgather(x, jnp.full((L,), L - 1, jnp.int32))


def _sc_body(v_hbm, lab_hbm, out_hbm, rows_v, posbuf, labels_v, accbuf, sems):
    wid = lax.axis_index("s") * NC + lax.axis_index("c")
    wstart = SPLIT + wid * ROWS_PER_W
    iota = lax.iota(jnp.int32, L)
    lane0 = iota == 0
    shl = jnp.maximum(iota - 1, 0)

    pltpu.sync_copy(lab_hbm.at[pl.ds(wstart, ROWS_PER_W)], labels_v)

    def row_body(r, rbase, d, acc):
        g = rbase + r
        labv = labels_v[pl.ds((g // L) * L, L)]
        lab_vec = _vgather(labv, jnp.full((L,), g % L, jnp.int32))
        lab_s = lab_vec[0]

        def miss_branch(_):
            @plsc.parallel_loop(
                0, NCH, carry=jnp.full((L,), -jnp.inf, jnp.float32), unroll=8
            )
            def vmx(j, c):
                return jnp.maximum(c, rows_v[d, r, pl.ds(j * L, L)])

            vmax_s = jnp.max(vmx)
            hit = lane0 & (lab_vec == 1) & (vmax_s < THRESH)
            return jnp.where(hit, THRESH - vmax_s, 0.0)

        def cluster_branch(_):

            @plsc.parallel_loop(
                0, NCH, carry=jnp.zeros((L,), jnp.int32), unroll=4
            )
            def n_splat(j, cnt):
                v_c = rows_v[d, r, pl.ds(j * L, L)]
                m = v_c >= THRESH
                s_c = plsc.cumsum(m.astype(jnp.int32)) + cnt
                gi = j * L + iota
                plsc.store_scatter(posbuf, [s_c - 1], gi, mask=m)
                return cnt + plsc.all_reduce_population_count(m)

            n_s = n_splat[0]

            nch = (n_s + (L - 1)) // L
            si0 = jnp.zeros((L,), jnp.int32)
            mink0 = jnp.full((L,), BIG, jnp.int32)

            @plsc.parallel_loop(0, nch, carry=(si0, si0, si0, mink0))
            def p2_out(j, c):
                si, prevlast, _, mink = c
                pos_c = posbuf[pl.ds(j * L, L)]
                gi = j * L + iota
                validm = gi < n_splat
                prev = jnp.where(lane0, prevlast, _vgather(pos_c, shl))
                gap = pos_c - prev
                newflag = (gap > GAP) & (gi > 0) & validm
                startval = jnp.where(newflag | (gi == 0), gi, 0)
                incl_loc = plsc.cummax(startval)
                excl = jnp.where(
                    lane0, si, jnp.maximum(_vgather(incl_loc, shl), si)
                )
                key = jnp.where(newflag, (gi - excl) * 1024 + prev, BIG)
                mink = jnp.minimum(mink, key)
                si = jnp.maximum(si, _splat_last(incl_loc))
                return si, _splat_last(pos_c), pos_c, mink

            si_f, _, lastp, mink_vec = p2_out

            lanes_last = jnp.bitwise_and(n_s - 1, L - 1)
            lp_s = _vgather(lastp, jnp.full((L,), lanes_last, jnp.int32))[0]
            mk = jnp.min(mink_vec)
            keyf = (n_s - si_f[0]) * 1024 + lp_s
            mk = jnp.minimum(mk, jnp.where(n_s > 0, keyf, BIG))
            tstar = jnp.bitwise_and(mk, 1023)

            vat = plsc.load_gather(
                rows_v,
                [
                    jnp.full((L,), d, jnp.int32),
                    jnp.full((L,), r, jnp.int32),
                    jnp.full((L,), tstar, jnp.int32),
                ],
            )
            return jnp.where(lane0 & (n_splat > 0), vat - THRESH, 0.0)

        contrib = lax.cond(lab_s == 0, cluster_branch, miss_branch, 0)
        return acc + contrib

    def _block_copy(b, d):
        return pltpu.make_async_copy(
            v_hbm.at[pl.ds(wstart + b * RB, RB)], rows_v.at[d], sems.at[d]
        )

    def blk_body(b, acc):
        d = jnp.bitwise_and(b, 1)
        _block_copy(b, d).wait()

        @pl.when(b + 1 < NBLK)
        def _():
            _block_copy(b + 1, 1 - d).start()

        rbase = b * RB

        def rloop(r, a):
            return row_body(r, rbase, d, a)

        return lax.fori_loop(0, RB, rloop, acc)

    _block_copy(0, 0).start()
    acc = lax.fori_loop(0, NBLK, blk_body, jnp.zeros((L,), jnp.float32))
    accbuf[...] = acc
    pltpu.sync_copy(accbuf, out_hbm.at[wid])


@functools.partial(
    pl.kernel,
    out_type=jax.ShapeDtypeStruct((NW, L), jnp.float32),
    compiler_params=pltpu.CompilerParams(needs_layout_passes=False),
    mesh=plsc.VectorSubcoreMesh(core_axis_name="c", subcore_axis_name="s"),
    scratch_types=[
        pltpu.VMEM((2, RB, T), jnp.float32),
        pltpu.VMEM((T,), jnp.int32),
        pltpu.VMEM((ROWS_PER_W,), jnp.int32),
        pltpu.VMEM((L,), jnp.float32),
        pltpu.SemaphoreType.DMA((2,)),
    ],
)
def _stca_loss_sc(v_hbm, lab_hbm, out_hbm, rows_v, posbuf, labels_v, accbuf, sems):
    _sc_body(v_hbm, lab_hbm, out_hbm, rows_v, posbuf, labels_v, accbuf, sems)


def _tc_block(v_ref, lab_ref, tri_ref, out_ref):
    v = v_ref[...]
    lab = lab_ref[0, 0, :]
    spike_b = v >= THRESH
    s = lax.dot_general(
        spike_b.astype(jnp.bfloat16),
        tri_ref[...],
        (((1,), (0,)), ((), ())),
        preferred_element_type=jnp.float32,
    )
    z = jnp.zeros((RTC, 6), jnp.float32)
    sm1 = jnp.concatenate([z[:, :1], s[:, :-1]], axis=1)
    sm6 = jnp.concatenate([z, s[:, :-6]], axis=1)
    sp5 = jnp.concatenate([s[:, 5:], jnp.broadcast_to(s[:, -1:], (RTC, 5))], axis=1)
    start = spike_b & (sm1 == sm6)
    end = spike_b & (sp5 == s)
    S0 = jnp.where(start, s, 0.0)
    k = 1
    while k < T:
        S0 = jnp.maximum(
            S0,
            jnp.concatenate([jnp.zeros((RTC, k), jnp.float32), S0[:, :-k]], axis=1),
        )
        k *= 2
    size = (s - S0).astype(jnp.int32) + 1
    tt = lax.broadcasted_iota(jnp.int32, (RTC, T), 1)
    key = jnp.where(end, size * 1024 + tt, BIG)
    mk = jnp.min(key, axis=1)
    tstar = jnp.bitwise_and(mk, 1023)
    vat = jnp.sum(jnp.where(tt == tstar[:, None], v, 0.0), axis=1)
    vmax = jnp.max(v, axis=1)
    has = s[:, -1] > 0.0
    contrib = jnp.where((lab == 0) & has, vat - THRESH, 0.0)
    contrib = contrib + jnp.where((lab == 1) & (~has), THRESH - vmax, 0.0)
    out_ref[0, 0, :] = jnp.broadcast_to(jnp.sum(contrib), (128,))


_NB_TC = SPLIT // RTC

_stca_loss_tc = pl.pallas_call(
    _tc_block,
    grid=(_NB_TC,),
    in_specs=[
        pl.BlockSpec((RTC, T), lambda i: (i, 0)),
        pl.BlockSpec((1, 1, RTC), lambda i: (i, 0, 0)),
        pl.BlockSpec((T, T), lambda i: (0, 0)),
    ],
    out_specs=pl.BlockSpec((1, 1, 128), lambda i: (i, 0, 0)),
    out_shape=jax.ShapeDtypeStruct((_NB_TC, 1, 128), jnp.float32),
)


def kernel(vmem, labels):
    B, N, Tdim = vmem.shape
    v2 = vmem.reshape(B * N, Tdim)
    lab = labels.reshape(B * N).astype(jnp.int32)
    lab3 = lab.reshape(ROWS // RTC, 1, RTC)
    ru = lax.broadcasted_iota(jnp.int32, (T, T), 0)
    ct = lax.broadcasted_iota(jnp.int32, (T, T), 1)
    tri = (ru <= ct).astype(jnp.bfloat16)
    tc_partials = _stca_loss_tc(v2, lab3, tri)
    sc_partials = _stca_loss_sc(v2, lab)
    return jnp.sum(sc_partials) + jnp.sum(tc_partials[:, 0, 0])

# --- scband reference (transcript-rebuilt; emitter-appended) ---
"""Pipeline reference for scband-stca-classify-loss-8993661518683 (READ-ONLY COPY).

The authoritative reference and input builder live on the scoring server;
editing this copy changes nothing except your own understanding.
"""

import jax, jax.numpy as jnp
import numpy as np

THRESH = 1.0
C = 5


def setup_inputs(seed: int = 0) -> dict:
    key = jax.random.key(seed)
    k1, k2 = jax.random.split(key)
    vmem = jax.random.normal(k1, (256, 128, 512), dtype=jnp.float32)
    labels = jax.random.randint(k2, (256, 128), 0, 2)
    return {"vmem": vmem, "labels": labels}


def _per_neuron(v, label):
    # Faithful vectorized translation of the per-(batch,neuron) loop body for labels in {0,1}.
    T = v.shape[0]
    idx = jnp.arange(T)
    spike_mask = v >= THRESH
    n_spikes = jnp.sum(spike_mask.astype(jnp.int32))
    has_spike = n_spikes > 0
    # spike positions ascending, padded with T for non-spikes (== torch.nonzero order)
    pos = jnp.sort(jnp.where(spike_mask, idx, T))
    valid = idx < n_spikes
    prev = jnp.concatenate([pos[:1], pos[:-1]])
    gap = pos - prev
    # gap > C between consecutive spikes starts a new cluster (same rule as beg_list/end_list loop)
    new_flag = jnp.where((idx > 0) & (gap > C) & valid, 1, 0)
    cluster_id = jnp.cumsum(new_flag)
    seg = jnp.where(valid, cluster_id, T)  # dummy segment T for padding
    counts = jax.ops.segment_sum(valid.astype(jnp.int32), seg, num_segments=T + 1)
    num_cluster = jnp.where(has_spike, cluster_id[jnp.maximum(n_spikes - 1, 0)] + 1, 0)
    last_spike_idx = jax.ops.segment_max(jnp.where(valid, idx, -1), seg, num_segments=T + 1)
    cl = jnp.arange(T + 1)
    sizes = counts - 1  # == end_list - beg_list in spike-index space
    sizes_masked = jnp.where(cl < num_cluster, sizes, T + 10)
    icl = jnp.argmin(sizes_masked)  # first minimal cluster, matching torch.argmin tie-break
    pos_last = pos[jnp.clip(last_spike_idx[icl], 0, T - 1)]
    pos_last = jnp.clip(pos_last, 0, T - 1)
    # label < (num_cluster > 0): label==0 and at least one cluster -> penalize spurious spike
    false_pos = v[pos_last] - THRESH
    # label > (num_cluster > 0): label==1 and no spikes -> mask is all-zero, so thresh - max(v)
    miss = THRESH - jnp.max(v)
    contrib = jnp.where((label == 1) & (~has_spike), miss, 0.0) + jnp.where((label == 0) & has_spike, false_pos, 0.0)
    return contrib


def reference(vmem, labels):
    B, N, T = vmem.shape
    v2 = vmem.reshape(B * N, T)
    lab = labels.reshape(B * N)
    contribs = jax.vmap(_per_neuron)(v2, lab)
    return jnp.sum(contribs)

if __name__ == "__main__":
    import jax
    _d = setup_inputs()
    print(jax.jit(kernel)(*tuple(_d.values())))

</pallas_src>

<mosaic_0001>
#map = affine_map<(d0, d1) -> (0, 0)>
#map1 = affine_map<(d0, d1) -> (0)>
module attributes {stable_mosaic.version = 14 : i64} {
  func.func @_stca_loss_sc(%arg0: i32, %arg1: i32, %arg2: memref<32768x512xf32, #tpu.memory_space<hbm>>, %arg3: memref<32768xi32, #tpu.memory_space<hbm>>, %arg4: memref<32x16xf32, #tpu.memory_space<hbm>>, %arg5: memref<2x32x512xf32, #tpu.memory_space<vmem>>, %arg6: memref<512xi32, #tpu.memory_space<vmem>>, %arg7: memref<672xi32, #tpu.memory_space<vmem>>, %arg8: memref<16xf32, #tpu.memory_space<vmem>>, %arg9: memref<2x!tpu.dma_semaphore, #tpu.memory_space<semaphore_mem>>) attributes {dimension_semantics = [#tpu.dimension_semantics<core_parallel>, #tpu.dimension_semantics<subcore_parallel>], iteration_bounds = array<i64: 2, 16>, scalar_prefetch = 0 : i64, scratch_operands = 5 : i64, tpu.core_type = #tpu.core_type<sc_vector_subcore>, window_params = [{transform_indices = #map}, {transform_indices = #map1}, {transform_indices = #map}]} {
    %mul3A = arith.constant 2 : i32
    %mul3A_0 = arith.muli %arg1, %mul3A : i32
    %add3A = arith.addi %mul3A_0, %arg0 : i32
    %mul3A_1 = arith.constant 672 : i32
    %mul3A_2 = arith.muli %add3A, %mul3A_1 : i32
    %add3A_3 = arith.constant 11264 : i32
    %add3A_4 = arith.addi %add3A_3, %mul3A_2 : i32
    %iota3A = tpu.iota {dimensions = array<i32: 0>} : vector<16xi32>
    %eq3A = arith.constant 0 : i32
    %eq3A_5 = vector.broadcast %eq3A : i32 to vector<16xi32>
    %eq3A_6 = arith.cmpi eq, %iota3A, %eq3A_5 : vector<16xi32>
    %sub3A = arith.constant 1 : i32
    %sub3A_7 = vector.broadcast %sub3A : i32 to vector<16xi32>
    %sub3A_8 = arith.subi %iota3A, %sub3A_7 : vector<16xi32>
    %max3A = arith.constant 0 : i32
    %max3A_9 = vector.broadcast %max3A : i32 to vector<16xi32>
    %max3A_10 = arith.maxsi %sub3A_8, %max3A_9 : vector<16xi32>
    "tpu.region"() ({
      %run_scoped3A = tpu.sem_alloc : memref<!tpu.dma_semaphore, #tpu.memory_space<semaphore_mem>>
      %dma_start3A_35 = tpu.memref_slice %arg3[%add3A_4] : memref<32768xi32, #tpu.memory_space<hbm>> -> memref<672xi32, #tpu.memory_space<hbm>>
      %dma_start3A_36 = tpu.memref_slice %arg3[%add3A_4] : memref<32768xi32, #tpu.memory_space<hbm>> -> memref<672xi32, #tpu.memory_space<hbm>>
      tpu.enqueue_dma source(%dma_start3A_36 : memref<672xi32, #tpu.memory_space<hbm>>) target(%arg7 : memref<672xi32, #tpu.memory_space<vmem>>) target_semaphore(%run_scoped3A : memref<!tpu.dma_semaphore, #tpu.memory_space<semaphore_mem>>)
      %dma_wait3A = tpu.memref_slice %arg3[%add3A_4] : memref<32768xi32, #tpu.memory_space<hbm>> -> memref<672xi32, #tpu.memory_space<hbm>>
      %dma_wait3A_37 = tpu.memref_slice %arg3[%add3A_4] : memref<32768xi32, #tpu.memory_space<hbm>> -> memref<672xi32, #tpu.memory_space<hbm>>
      tpu.wait_dma2 semaphore(%run_scoped3A : memref<!tpu.dma_semaphore, #tpu.memory_space<semaphore_mem>>) src(%dma_wait3A_37 : memref<672xi32, #tpu.memory_space<hbm>>) dst(%arg7 : memref<672xi32, #tpu.memory_space<vmem>>)
      tpu.yield
    }) : () -> ()
    %add3A_11 = arith.constant 0 : i32
    %add3A_12 = arith.addi %add3A_4, %add3A_11 : i32
    %dma_start3A = arith.constant 0 : i32
    %dma_start3A_13 = arith.constant 0 : i32
    %dma_start3A_14 = arith.constant 0 : i32
    %dma_start3A_15 = arith.constant 0 : i32
    %dma_start3A_16 = tpu.memref_slice %arg5[%dma_start3A, %dma_start3A_14, %dma_start3A_15] : memref<2x32x512xf32, #tpu.memory_space<vmem>> -> memref<1x32x512xf32, #tpu.memory_space<vmem>>
    %dma_start3A_17 = tpu.memref_squeeze %dma_start3A_16 : memref<1x32x512xf32, #tpu.memory_space<vmem>> -> memref<32x512xf32, #tpu.memory_space<vmem>>
    %dma_start3A_18 = arith.constant 0 : i32
    %dma_start3A_19 = tpu.memref_slice %arg2[%add3A_12, %dma_start3A_18] : memref<32768x512xf32, #tpu.memory_space<hbm>> -> memref<32x512xf32, #tpu.memory_space<hbm>>
    %dma_start3A_20 = tpu.memref_slice %arg9[%dma_start3A_13] : memref<2x!tpu.dma_semaphore, #tpu.memory_space<semaphore_mem>> -> memref<1x!tpu.dma_semaphore, #tpu.memory_space<semaphore_mem>>
    %dma_start3A_21 = tpu.memref_squeeze %dma_start3A_20 : memref<1x!tpu.dma_semaphore, #tpu.memory_space<semaphore_mem>> -> memref<!tpu.dma_semaphore, #tpu.memory_space<semaphore_mem>>
    %dma_start3A_22 = arith.constant 0 : i32
    %dma_start3A_23 = arith.constant 0 : i32
    %dma_start3A_24 = tpu.memref_slice %arg5[%dma_start3A, %dma_start3A_22, %dma_start3A_23] : memref<2x32x512xf32, #tpu.memory_space<vmem>> -> memref<1x32x512xf32, #tpu.memory_space<vmem>>
    %dma_start3A_25 = tpu.memref_squeeze %dma_start3A_24 : memref<1x32x512xf32, #tpu.memory_space<vmem>> -> memref<32x512xf32, #tpu.memory_space<vmem>>
    %dma_start3A_26 = arith.constant 0 : i32
    %dma_start3A_27 = tpu.memref_slice %arg2[%add3A_12, %dma_start3A_26] : memref<32768x512xf32, #tpu.memory_space<hbm>> -> memref<32x512xf32, #tpu.memory_space<hbm>>
    tpu.enqueue_dma source(%dma_start3A_27 : memref<32x512xf32, #tpu.memory_space<hbm>>) target(%dma_start3A_25 : memref<32x512xf32, #tpu.memory_space<vmem>>) target_semaphore(%dma_start3A_21 : memref<!tpu.dma_semaphore, #tpu.memory_space<semaphore_mem>>)
    %broadcast_in_dim3A = arith.constant 0.000000e+00 : f32
    %broadcast_in_dim3A_28 = vector.broadcast %broadcast_in_dim3A : f32 to vector<16xf32>
    %scan3A = arith.constant 0 : i32
    %scan3A_29 = arith.constant 21 : i32
    %scan3A_30 = arith.addi %scan3A, %scan3A_29 : i32
    %scan3A_31 = arith.constant 1 : i32
    %scan3A_32 = scf.for %scan3A_35 = %scan3A to %scan3A_30 step %scan3A_31 iter_args(%scan3A_36 = %broadcast_in_dim3A_28) -> (vector<16xf32>)  : i32 {
      %and3A = arith.constant 1 : i32
      %and3A_37 = arith.andi %scan3A_35, %and3A : i32
      %mul3A_38 = arith.constant 32 : i32
      %mul3A_39 = arith.muli %scan3A_35, %mul3A_38 : i32
      %add3A_40 = arith.addi %add3A_4, %mul3A_39 : i32
      %dma_wait3A = arith.constant 0 : i32
      %dma_wait3A_41 = arith.constant 0 : i32
      %dma_wait3A_42 = tpu.memref_slice %arg5[%and3A_37, %dma_wait3A, %dma_wait3A_41] : memref<2x32x512xf32, #tpu.memory_space<vmem>> -> memref<1x32x512xf32, #tpu.memory_space<vmem>>
      %dma_wait3A_43 = tpu.memref_squeeze %dma_wait3A_42 : memref<1x32x512xf32, #tpu.memory_space<vmem>> -> memref<32x512xf32, #tpu.memory_space<vmem>>
      %dma_wait3A_44 = arith.constant 0 : i32
      %dma_wait3A_45 = tpu.memref_slice %arg2[%add3A_40, %dma_wait3A_44] : memref<32768x512xf32, #tpu.memory_space<hbm>> -> memref<32x512xf32, #tpu.memory_space<hbm>>
      %dma_wait3A_46 = tpu.memref_slice %arg9[%and3A_37] : memref<2x!tpu.dma_semaphore, #tpu.memory_space<semaphore_mem>> -> memref<1x!tpu.dma_semaphore, #tpu.memory_space<semaphore_mem>>
      %dma_wait3A_47 = tpu.memref_squeeze %dma_wait3A_46 : memref<1x!tpu.dma_semaphore, #tpu.memory_space<semaphore_mem>> -> memref<!tpu.dma_semaphore, #tpu.memory_space<semaphore_mem>>
      %dma_wait3A_48 = arith.constant 0 : i32
      %dma_wait3A_49 = arith.constant 0 : i32
      %dma_wait3A_50 = tpu.memref_slice %arg5[%and3A_37, %dma_wait3A_48, %dma_wait3A_49] : memref<2x32x512xf32, #tpu.memory_space<vmem>> -> memref<1x32x512xf32, #tpu.memory_space<vmem>>
      %dma_wait3A_51 = tpu.memref_squeeze %dma_wait3A_50 : memref<1x32x512xf32, #tpu.memory_space<vmem>> -> memref<32x512xf32, #tpu.memory_space<vmem>>
      %dma_wait3A_52 = arith.constant 0 : i32
      %dma_wait3A_53 = tpu.memref_slice %arg2[%add3A_40, %dma_wait3A_52] : memref<32768x512xf32, #tpu.memory_space<hbm>> -> memref<32x512xf32, #tpu.memory_space<hbm>>
      tpu.wait_dma2 semaphore(%dma_wait3A_47 : memref<!tpu.dma_semaphore, #tpu.memory_space<semaphore_mem>>) src(%dma_wait3A_53 : memref<32x512xf32, #tpu.memory_space<hbm>>) dst(%dma_wait3A_51 : memref<32x512xf32, #tpu.memory_space<vmem>>)
      %add3A_54 = arith.constant 1 : i32
      %add3A_55 = arith.addi %scan3A_35, %add3A_54 : i32
      %lt3A = arith.constant 21 : i32
      %lt3A_56 = arith.cmpi slt, %add3A_55, %lt3A : i32
      %convert_element_type3A = arith.extui %lt3A_56 : i1 to i32
      %cond3A = arith.constant 0 : i32
      %cond3A_57 = arith.cmpi ne, %convert_element_type3A, %cond3A : i32
      scf.if %cond3A_57 {
        %add3A_66 = arith.constant 1 : i32
        %add3A_67 = arith.addi %scan3A_35, %add3A_66 : i32
        %sub3A_68 = arith.constant 1 : i32
        %sub3A_69 = arith.subi %sub3A_68, %and3A_37 : i32
        %mul3A_70 = arith.constant 32 : i32
        %mul3A_71 = arith.muli %add3A_67, %mul3A_70 : i32
        %add3A_72 = arith.addi %add3A_4, %mul3A_71 : i32
        %dma_start3A_73 = arith.constant 0 : i32
        %dma_start3A_74 = arith.constant 0 : i32
        %dma_start3A_75 = tpu.memref_slice %arg5[%sub3A_69, %dma_start3A_73, %dma_start3A_74] : memref<2x32x512xf32, #tpu.memory_space<vmem>> -> memref<1x32x512xf32, #tpu.memory_space<vmem>>
        %dma_start3A_76 = tpu.memref_squeeze %dma_start3A_75 : memref<1x32x512xf32, #tpu.memory_space<vmem>> -> memref<32x512xf32, #tpu.memory_space<vmem>>
        %dma_start3A_77 = arith.constant 0 : i32
        %dma_start3A_78 = tpu.memref_slice %arg2[%add3A_72, %dma_start3A_77] : memref<32768x512xf32, #tpu.memory_space<hbm>> -> memref<32x512xf32, #tpu.memory_space<hbm>>
        %dma_start3A_79 = tpu.memref_slice %arg9[%sub3A_69] : memref<2x!tpu.dma_semaphore, #tpu.memory_space<semaphore_mem>> -> memref<1x!tpu.dma_semaphore, #tpu.memory_space<semaphore_mem>>
        %dma_start3A_80 = tpu.memref_squeeze %dma_start3A_79 : memref<1x!tpu.dma_semaphore, #tpu.memory_space<semaphore_mem>> -> memref<!tpu.dma_semaphore, #tpu.memory_space<semaphore_mem>>
        %dma_start3A_81 = arith.constant 0 : i32
        %dma_start3A_82 = arith.constant 0 : i32
        %dma_start3A_83 = tpu.memref_slice %arg5[%sub3A_69, %dma_start3A_81, %dma_start3A_82] : memref<2x32x512xf32, #tpu.memory_space<vmem>> -> memref<1x32x512xf32, #tpu.memory_space<vmem>>
        %dma_start3A_84 = tpu.memref_squeeze %dma_start3A_83 : memref<1x32x512xf32, #tpu.memory_space<vmem>> -> memref<32x512xf32, #tpu.memory_space<vmem>>
        %dma_start3A_85 = arith.constant 0 : i32
        %dma_start3A_86 = tpu.memref_slice %arg2[%add3A_72, %dma_start3A_85] : memref<32768x512xf32, #tpu.memory_space<hbm>> -> memref<32x512xf32, #tpu.memory_space<hbm>>
        tpu.enqueue_dma source(%dma_start3A_86 : memref<32x512xf32, #tpu.memory_space<hbm>>) target(%dma_start3A_84 : memref<32x512xf32, #tpu.memory_space<vmem>>) target_semaphore(%dma_start3A_80 : memref<!tpu.dma_semaphore, #tpu.memory_space<semaphore_mem>>)
      } else {
      }
      %mul3A_58 = arith.constant 32 : i32
      %mul3A_59 = arith.muli %scan3A_35, %mul3A_58 : i32
      %scan3A_60 = arith.constant 0 : i32
      %scan3A_61 = arith.constant 32 : i32
      %scan3A_62 = arith.addi %scan3A_60, %scan3A_61 : i32
      %scan3A_63 = arith.constant 1 : i32
      %scan3A_64 = scf.for %scan3A_66 = %scan3A_60 to %scan3A_62 step %scan3A_63 iter_args(%scan3A_67 = %scan3A_36) -> (vector<16xf32>)  : i32 {
        %add3A_68 = arith.addi %mul3A_59, %scan3A_66 : i32
        %jit3A = arith.constant 16 : i32
        %div3A = arith.divsi %add3A_68, %jit3A : i32
        %sign3A = arith.constant 0 : i32
        %sign3A_69 = arith.cmpi sgt, %add3A_68, %sign3A : i32
        %sign3A_70 = arith.extui %sign3A_69 : i1 to i32
        %sign3A_71 = arith.constant 0 : i32
        %sign3A_72 = arith.cmpi slt, %add3A_68, %sign3A_71 : i32
        %sign3A_73 = arith.extui %sign3A_72 : i1 to i32
        %sign3A_74 = arith.subi %sign3A_70, %sign3A_73 : i32
        %sign3A_75 = arith.constant 0 : i32
        %sign3A_76 = arith.cmpi sgt, %jit3A, %sign3A_75 : i32
        %sign3A_77 = arith.extui %sign3A_76 : i1 to i32
        %sign3A_78 = arith.constant 0 : i32
        %sign3A_79 = arith.cmpi slt, %jit3A, %sign3A_78 : i32
        %sign3A_80 = arith.extui %sign3A_79 : i1 to i32
        %sign3A_81 = arith.subi %sign3A_77, %sign3A_80 : i32
        %ne3A = arith.cmpi ne, %sign3A_74, %sign3A_81 : i32
        %rem3A = arith.remsi %add3A_68, %jit3A : i32
        %ne3A_82 = arith.constant 0 : i32
        %ne3A_83 = arith.cmpi ne, %rem3A, %ne3A_82 : i32
        %and3A_84 = arith.andi %ne3A, %ne3A_83 : i1
        %sub3A_85 = arith.constant 1 : i32
        %sub3A_86 = arith.subi %div3A, %sub3A_85 : i32
        %select_n3A = arith.select %and3A_84, %sub3A_86, %div3A : i32
        %mul3A_87 = arith.constant 16 : i32
        %mul3A_88 = arith.muli %select_n3A, %mul3A_87 : i32
        %get3A = arith.index_cast %mul3A_88 : i32 to index
        %get3A_89 = tpu.vector_load %arg7[%get3A] {strides = array<i32>} : memref<672xi32, #tpu.memory_space<vmem>>, vector<16xi32>,
        %jit3A_90 = arith.constant 16 : i32
        %eq3A_91 = arith.constant 0 : i32
        %eq3A_92 = arith.cmpi eq, %jit3A_90, %eq3A_91 : i32
        %jit3A_93 = arith.constant 1 : i32
        %select_n3A_94 = arith.select %eq3A_92, %jit3A_93, %jit3A_90 : i32
        %rem3A_95 = arith.remsi %add3A_68, %select_n3A_94 : i32
        %ne3A_96 = arith.constant 0 : i32
        %ne3A_97 = arith.cmpi ne, %rem3A_95, %ne3A_96 : i32
        %lt3A_98 = arith.constant 0 : i32
        %lt3A_99 = arith.cmpi slt, %rem3A_95, %lt3A_98 : i32
        %lt3A_100 = arith.constant 0 : i32
        %lt3A_101 = arith.cmpi slt, %select_n3A_94, %lt3A_100 : i32
        %ne3A_102 = arith.xori %lt3A_99, %lt3A_101 : i1
        %and3A_103 = arith.andi %ne3A_102, %ne3A_97 : i1
        %add3A_104 = arith.addi %rem3A_95, %select_n3A_94 : i32
        %select_n3A_105 = arith.select %and3A_103, %add3A_104, %rem3A_95 : i32
        %broadcast_in_dim3A_106 = vector.broadcast %select_n3A_105 : i32 to vector<16xi32>
        %broadcast_in_dim3A_107 = vector.shape_cast %broadcast_in_dim3A_106 : vector<16xi32> to vector<16x1xi32>
        %gather3A = vector.shape_cast %broadcast_in_dim3A_107 : vector<16x1xi32> to vector<16xi32>
        %gather3A_108 = tpu.dynamic_gather %get3A_89[%gather3A] in [0] : vector<16xi32>, vector<16xi32> -> vector<16xi32>
        %slice3A = vector.extract_strided_slice %gather3A_108 {offsets = [0], sizes = [1], strides = [1]} : vector<16xi32> to vector<1xi32>
        %squeeze3A = vector.extract %slice3A[0] : i32 from vector<1xi32>
        %eq3A_109 = arith.constant 0 : i32
        %eq3A_110 = arith.cmpi eq, %squeeze3A, %eq3A_109 : i32
        %convert_element_type3A_111 = arith.extui %eq3A_110 : i1 to i32
        %cond3A_112 = arith.constant 0 : i32
        %cond3A_113 = arith.constant 0 : i32
        %cond3A_114 = arith.cmpi ne, %convert_element_type3A_111, %cond3A_113 : i32
        %cond3A_115 = scf.if %cond3A_114 -> (vector<16xf32>) {
          %broadcast_in_dim3A_117 = arith.constant 0 : i32
          %broadcast_in_dim3A_118 = vector.broadcast %broadcast_in_dim3A_117 : i32 to vector<16xi32>
          %parallel_loop3A = arith.constant 0 : i32
          %parallel_loop3A_119 = arith.constant 32 : i32
          %parallel_loop3A_120 = arith.constant 1 : i32
          %parallel_loop3A_121 = scf.for %parallel_loop3A_199 = %parallel_loop3A to %parallel_loop3A_119 step %parallel_loop3A_120 iter_args(%parallel_loop3A_200 = %broadcast_in_dim3A_118) -> (vector<16xi32>)  : i32 {
            %parallel_loop3A_201 = arith.constant 16 : i32
            %parallel_loop3A_202 = arith.muli %parallel_loop3A_199, %parallel_loop3A_201 : i32
            %parallel_loop3A_203 = arith.index_cast %and3A_37 : i32 to index
            %parallel_loop3A_204 = arith.index_cast %scan3A_66 : i32 to index
            %parallel_loop3A_205 = arith.index_cast %parallel_loop3A_202 : i32 to index
            %parallel_loop3A_206 = tpu.vector_load %arg5[%parallel_loop3A_203, %parallel_loop3A_204, %parallel_loop3A_205] {strides = array<i32>} : memref<2x32x512xf32, #tpu.memory_space<vmem>>, vector<16xf32>,
            %parallel_loop3A_207 = arith.constant 1.000000e+00 : f32
            %parallel_loop3A_208 = vector.broadcast %parallel_loop3A_207 : f32 to vector<16xf32>
            %parallel_loop3A_209 = arith.cmpf oge, %parallel_loop3A_206, %parallel_loop3A_208 : vector<16xf32>
            %parallel_loop3A_210 = arith.extui %parallel_loop3A_209 : vector<16xi1> to vector<16xi32>
            %parallel_loop3A_211 = arith.constant true
            %parallel_loop3A_212 = vector.broadcast %parallel_loop3A_211 : i1 to vector<16xi1>
            %parallel_loop3A_213 = tpu.scan <sum>, %parallel_loop3A_210 masked %parallel_loop3A_212 : vector<16xi32>, vector<16xi1> -> vector<16xi32>
            %parallel_loop3A_214 = arith.addi %parallel_loop3A_213, %parallel_loop3A_200 : vector<16xi32>
            %parallel_loop3A_215 = arith.constant 16 : i32
            %parallel_loop3A_216 = arith.muli %parallel_loop3A_199, %parallel_loop3A_215 : i32
            %parallel_loop3A_217 = vector.broadcast %parallel_loop3A_216 : i32 to vector<16xi32>
            %parallel_loop3A_218 = arith.addi %parallel_loop3A_217, %iota3A : vector<16xi32>
            %parallel_loop3A_219 = arith.constant 1 : i32
            %parallel_loop3A_220 = vector.broadcast %parallel_loop3A_219 : i32 to vector<16xi32>
            %parallel_loop3A_221 = arith.subi %parallel_loop3A_214, %parallel_loop3A_220 : vector<16xi32>
            tpu.vector_store_idx %arg6[%parallel_loop3A_221], %parallel_loop3A_218 masked %parallel_loop3A_209 : memref<512xi32, #tpu.memory_space<vmem>>[vector<16xi32>], vector<16xi32>, vector<16xi1>
            %parallel_loop3A_222 = tpu.all_reduce %parallel_loop3A_209 {dim = 0 : i64, kind = #tpu.reduction_kind<sum>} : vector<16xi1> -> vector<16xi32>
            %parallel_loop3A_223 = arith.addi %parallel_loop3A_200, %parallel_loop3A_222 : vector<16xi32>
            scf.yield %parallel_loop3A_223 : vector<16xi32>
          } {sc.loop_unroll_factor = 4 : i64, sc.parallel_access}
          %slice3A_122 = vector.extract_strided_slice %parallel_loop3A_121 {offsets = [0], sizes = [1], strides = [1]} : vector<16xi32> to vector<1xi32>
          %squeeze3A_123 = vector.extract %slice3A_122[0] : i32 from vector<1xi32>
          %add3A_124 = arith.constant 15 : i32
          %add3A_125 = arith.addi %squeeze3A_123, %add3A_124 : i32
          %jit3A_126 = arith.constant 16 : i32
          %div3A_127 = arith.divsi %add3A_125, %jit3A_126 : i32
          %sign3A_128 = arith.constant 0 : i32
          %sign3A_129 = arith.cmpi sgt, %add3A_125, %sign3A_128 : i32
          %sign3A_130 = arith.extui %sign3A_129 : i1 to i32
          %sign3A_131 = arith.constant 0 : i32
          %sign3A_132 = arith.cmpi slt, %add3A_125, %sign3A_131 : i32
          %sign3A_133 = arith.extui %sign3A_132 : i1 to i32
          %sign3A_134 = arith.subi %sign3A_130, %sign3A_133 : i32
          %sign3A_135 = arith.constant 0 : i32
          %sign3A_136 = arith.cmpi sgt, %jit3A_126, %sign3A_135 : i32
          %sign3A_137 = arith.extui %sign3A_136 : i1 to i32
          %sign3A_138 = arith.constant 0 : i32
          %sign3A_139 = arith.cmpi slt, %jit3A_126, %sign3A_138 : i32
          %sign3A_140 = arith.extui %sign3A_139 : i1 to i32
          %sign3A_141 = arith.subi %sign3A_137, %sign3A_140 : i32
          %ne3A_142 = arith.cmpi ne, %sign3A_134, %sign3A_141 : i32
          %rem3A_143 = arith.remsi %add3A_125, %jit3A_126 : i32
          %ne3A_144 = arith.constant 0 : i32
          %ne3A_145 = arith.cmpi ne, %rem3A_143, %ne3A_144 : i32
          %and3A_146 = arith.andi %ne3A_142, %ne3A_145 : i1
          %sub3A_147 = arith.constant 1 : i32
          %sub3A_148 = arith.subi %div3A_127, %sub3A_147 : i32
          %select_n3A_149 = arith.select %and3A_146, %sub3A_148, %div3A_127 : i32
          %broadcast_in_dim3A_150 = arith.constant 0 : i32
          %broadcast_in_dim3A_151 = vector.broadcast %broadcast_in_dim3A_150 : i32 to vector<16xi32>
          %broadcast_in_dim3A_152 = arith.constant 4194304 : i32
          %broadcast_in_dim3A_153 = vector.broadcast %broadcast_in_dim3A_152 : i32 to vector<16xi32>
          %parallel_loop3A_154 = arith.constant 0 : i32
          %parallel_loop3A_155 = arith.constant 1 : i32
          %parallel_loop3A_156:4 = scf.for %parallel_loop3A_199 = %parallel_loop3A_154 to %select_n3A_149 step %parallel_loop3A_155 iter_args(%parallel_loop3A_200 = %broadcast_in_dim3A_151, %parallel_loop3A_201 = %broadcast_in_dim3A_151, %parallel_loop3A_202 = %broadcast_in_dim3A_151, %parallel_loop3A_203 = %broadcast_in_dim3A_153) -> (vector<16xi32>, vector<16xi32>, vector<16xi32>, vector<16xi32>)  : i32 {
            %parallel_loop3A_204 = arith.constant 16 : i32
            %parallel_loop3A_205 = arith.muli %parallel_loop3A_199, %parallel_loop3A_204 : i32
            %parallel_loop3A_206 = arith.index_cast %parallel_loop3A_205 : i32 to index
            %parallel_loop3A_207 = tpu.vector_load %arg6[%parallel_loop3A_206] {strides = array<i32>} : memref<512xi32, #tpu.memory_space<vmem>>, vector<16xi32>,
            %parallel_loop3A_208 = arith.constant 16 : i32
            %parallel_loop3A_209 = arith.muli %parallel_loop3A_199, %parallel_loop3A_208 : i32
            %parallel_loop3A_210 = vector.broadcast %parallel_loop3A_209 : i32 to vector<16xi32>
            %parallel_loop3A_211 = arith.addi %parallel_loop3A_210, %iota3A : vector<16xi32>
            %parallel_loop3A_212 = arith.cmpi slt, %parallel_loop3A_211, %parallel_loop3A_121 : vector<16xi32>
            %parallel_loop3A_213 = vector.shape_cast %max3A_10 : vector<16xi32> to vector<16x1xi32>
            %parallel_loop3A_214 = vector.shape_cast %parallel_loop3A_213 : vector<16x1xi32> to vector<16xi32>
            %parallel_loop3A_215 = tpu.dynamic_gather %parallel_loop3A_207[%parallel_loop3A_214] in [0] : vector<16xi32>, vector<16xi32> -> vector<16xi32>
            %parallel_loop3A_216 = arith.select %eq3A_6, %parallel_loop3A_201, %parallel_loop3A_215 : vector<16xi1>, vector<16xi32>
            %parallel_loop3A_217 = arith.subi %parallel_loop3A_207, %parallel_loop3A_216 : vector<16xi32>
            %parallel_loop3A_218 = arith.constant 5 : i32
            %parallel_loop3A_219 = vector.broadcast %parallel_loop3A_218 : i32 to vector<16xi32>
            %parallel_loop3A_220 = arith.cmpi sgt, %parallel_loop3A_217, %parallel_loop3A_219 : vector<16xi32>
            %parallel_loop3A_221 = arith.constant 0 : i32
            %parallel_loop3A_222 = vector.broadcast %parallel_loop3A_221 : i32 to vector<16xi32>
            %parallel_loop3A_223 = arith.cmpi sgt, %parallel_loop3A_211, %parallel_loop3A_222 : vector<16xi32>
            %parallel_loop3A_224 = arith.andi %parallel_loop3A_220, %parallel_loop3A_223 : vector<16xi1>
            %parallel_loop3A_225 = arith.andi %parallel_loop3A_224, %parallel_loop3A_212 : vector<16xi1>
            %parallel_loop3A_226 = arith.constant 0 : i32
            %parallel_loop3A_227 = vector.broadcast %parallel_loop3A_226 : i32 to vector<16xi32>
            %parallel_loop3A_228 = arith.cmpi eq, %parallel_loop3A_211, %parallel_loop3A_227 : vector<16xi32>
            %parallel_loop3A_229 = arith.ori %parallel_loop3A_225, %parallel_loop3A_228 : vector<16xi1>
            %parallel_loop3A_230 = arith.constant 0 : i32
            %parallel_loop3A_231 = vector.broadcast %parallel_loop3A_230 : i32 to vector<16xi32>
            %parallel_loop3A_232 = arith.select %parallel_loop3A_229, %parallel_loop3A_211, %parallel_loop3A_231 : vector<16xi1>, vector<16xi32>
            %parallel_loop3A_233 = arith.constant true
            %parallel_loop3A_234 = vector.broadcast %parallel_loop3A_233 : i1 to vector<16xi1>
            %parallel_loop3A_235 = arith.constant -2147483648 : i32
            %parallel_loop3A_236 = vector.broadcast %parallel_loop3A_235 : i32 to vector<16xi32>
            %parallel_loop3A_237 = arith.xori %parallel_loop3A_232, %parallel_loop3A_236 : vector<16xi32>
            %parallel_loop3A_238 = tpu.scan <max>, %parallel_loop3A_237 masked %parallel_loop3A_234 : vector<16xi32>, vector<16xi1> -> vector<16xi32>
            %parallel_loop3A_239 = arith.xori %parallel_loop3A_238, %parallel_loop3A_236 : vector<16xi32>
            %parallel_loop3A_240 = vector.shape_cast %max3A_10 : vector<16xi32> to vector<16x1xi32>
            %parallel_loop3A_241 = vector.shape_cast %parallel_loop3A_240 : vector<16x1xi32> to vector<16xi32>
            %parallel_loop3A_242 = tpu.dynamic_gather %parallel_loop3A_239[%parallel_loop3A_241] in [0] : vector<16xi32>, vector<16xi32> -> vector<16xi32>
            %parallel_loop3A_243 = arith.maxsi %parallel_loop3A_242, %parallel_loop3A_200 : vector<16xi32>
            %parallel_loop3A_244 = arith.select %eq3A_6, %parallel_loop3A_200, %parallel_loop3A_243 : vector<16xi1>, vector<16xi32>
            %parallel_loop3A_245 = arith.subi %parallel_loop3A_211, %parallel_loop3A_244 : vector<16xi32>
            %parallel_loop3A_246 = arith.constant 1024 : i32
            %parallel_loop3A_247 = vector.broadcast %parallel_loop3A_246 : i32 to vector<16xi32>
            %parallel_loop3A_248 = arith.muli %parallel_loop3A_245, %parallel_loop3A_247 : vector<16xi32>
            %parallel_loop3A_249 = arith.addi %parallel_loop3A_248, %parallel_loop3A_216 : vector<16xi32>
            %parallel_loop3A_250 = arith.constant 4194304 : i32
            %parallel_loop3A_251 = vector.broadcast %parallel_loop3A_250 : i32 to vector<16xi32>
            %parallel_loop3A_252 = arith.select %parallel_loop3A_225, %parallel_loop3A_249, %parallel_loop3A_251 : vector<16xi1>, vector<16xi32>
            %parallel_loop3A_253 = arith.minsi %parallel_loop3A_203, %parallel_loop3A_252 : vector<16xi32>
            %parallel_loop3A_254 = arith.constant 15 : i32
            %parallel_loop3A_255 = vector.broadcast %parallel_loop3A_254 : i32 to vector<16xi32>
            %parallel_loop3A_256 = vector.shape_cast %parallel_loop3A_255 : vector<16xi32> to vector<16x1xi32>
            %parallel_loop3A_257 = vector.shape_cast %parallel_loop3A_256 : vector<16x1xi32> to vector<16xi32>
            %parallel_loop3A_258 = tpu.dynamic_gather %parallel_loop3A_239[%parallel_loop3A_257] in [0] : vector<16xi32>, vector<16xi32> -> vector<16xi32>
            %parallel_loop3A_259 = arith.maxsi %parallel_loop3A_200, %parallel_loop3A_258 : vector<16xi32>
            %parallel_loop3A_260 = arith.constant 15 : i32
            %parallel_loop3A_261 = vector.broadcast %parallel_loop3A_260 : i32 to vector<16xi32>
            %parallel_loop3A_262 = vector.shape_cast %parallel_loop3A_261 : vector<16xi32> to vector<16x1xi32>
            %parallel_loop3A_263 = vector.shape_cast %parallel_loop3A_262 : vector<16x1xi32> to vector<16xi32>
            %parallel_loop3A_264 = tpu.dynamic_gather %parallel_loop3A_207[%parallel_loop3A_263] in [0] : vector<16xi32>, vector<16xi32> -> vector<16xi32>
            scf.yield %parallel_loop3A_259, %parallel_loop3A_264, %parallel_loop3A_207, %parallel_loop3A_253 : vector<16xi32>, vector<16xi32>, vector<16xi32>, vector<16xi32>
          } {sc.loop_unroll_factor = 1 : i64, sc.parallel_access}
          %sub3A_157 = arith.constant 1 : i32
          %sub3A_158 = arith.subi %squeeze3A_123, %sub3A_157 : i32
          %and3A_159 = arith.constant 15 : i32
          %and3A_160 = arith.andi %sub3A_158, %and3A_159 : i32
          %broadcast_in_dim3A_161 = vector.broadcast %and3A_160 : i32 to vector<16xi32>
          %broadcast_in_dim3A_162 = vector.shape_cast %broadcast_in_dim3A_161 : vector<16xi32> to vector<16x1xi32>
          %gather3A_163 = vector.shape_cast %broadcast_in_dim3A_162 : vector<16x1xi32> to vector<16xi32>
          %gather3A_164 = tpu.dynamic_gather %parallel_loop3A_156#2[%gather3A_163] in [0] : vector<16xi32>, vector<16xi32> -> vector<16xi32>
          %slice3A_165 = vector.extract_strided_slice %gather3A_164 {offsets = [0], sizes = [1], strides = [1]} : vector<16xi32> to vector<1xi32>
          %squeeze3A_166 = vector.extract %slice3A_165[0] : i32 from vector<1xi32>
          %reduce_min3A = arith.constant true
          %reduce_min3A_167 = vector.broadcast %reduce_min3A : i1 to vector<16xi1>
          %reduce_min3A_168 = arith.constant -2147483648 : i32
          %reduce_min3A_169 = vector.broadcast %reduce_min3A_168 : i32 to vector<16xi32>
          %reduce_min3A_170 = arith.xori %parallel_loop3A_156#3, %reduce_min3A_169 : vector<16xi32>
          %reduce_min3A_171 = tpu.scan <min>, %reduce_min3A_170 masked %reduce_min3A_167 : vector<16xi32>, vector<16xi1> -> vector<16xi32>
          %reduce_min3A_172 = arith.xori %reduce_min3A_171, %reduce_min3A_169 : vector<16xi32>
          %reduce_min3A_173 = vector.extract %reduce_min3A_172[15] : i32 from vector<16xi32>
          %slice3A_174 = vector.extract_strided_slice %parallel_loop3A_156#0 {offsets = [0], sizes = [1], strides = [1]} : vector<16xi32> to vector<1xi32>
          %squeeze3A_175 = vector.extract %slice3A_174[0] : i32 from vector<1xi32>
          %sub3A_176 = arith.subi %squeeze3A_123, %squeeze3A_175 : i32
          %mul3A_177 = arith.constant 1024 : i32
          %mul3A_178 = arith.muli %sub3A_176, %mul3A_177 : i32
          %add3A_179 = arith.addi %mul3A_178, %squeeze3A_166 : i32
          %gt3A = arith.constant 0 : i32
          %gt3A_180 = arith.cmpi sgt, %squeeze3A_123, %gt3A : i32
          %jit3A_181 = arith.constant 4194304 : i32
          %select_n3A_182 = arith.select %gt3A_180, %add3A_179, %jit3A_181 : i32
          %min3A = arith.minsi %reduce_min3A_173, %select_n3A_182 : i32
          %and3A_183 = arith.constant 1023 : i32
          %and3A_184 = arith.andi %min3A, %and3A_183 : i32
          %broadcast_in_dim3A_185 = vector.broadcast %and3A_37 : i32 to vector<16xi32>
          %broadcast_in_dim3A_186 = vector.broadcast %scan3A_66 : i32 to vector<16xi32>
          %broadcast_in_dim3A_187 = vector.broadcast %and3A_184 : i32 to vector<16xi32>
          %gather3A_188 = tpu.vector_load_idx %arg5[%broadcast_in_dim3A_185, %broadcast_in_dim3A_186, %broadcast_in_dim3A_187] : memref<2x32x512xf32, #tpu.memory_space<vmem>>[vector<16xi32>, vector<16xi32>, vector<16xi32>], vector<16xf32>,
          %gt3A_189 = arith.constant 0 : i32
          %gt3A_190 = vector.broadcast %gt3A_189 : i32 to vector<16xi32>
          %gt3A_191 = arith.cmpi sgt, %parallel_loop3A_121, %gt3A_190 : vector<16xi32>
          %and3A_192 = arith.andi %eq3A_6, %gt3A_191 : vector<16xi1>
          %sub3A_193 = arith.constant 1.000000e+00 : f32
          %sub3A_194 = vector.broadcast %sub3A_193 : f32 to vector<16xf32>
          %sub3A_195 = arith.subf %gather3A_188, %sub3A_194 : vector<16xf32>
          %jit3A_196 = arith.constant 0.000000e+00 : f32
          %broadcast_in_dim3A_197 = vector.broadcast %jit3A_196 : f32 to vector<16xf32>
          %select_n3A_198 = arith.select %and3A_192, %sub3A_195, %broadcast_in_dim3A_197 : vector<16xi1>, vector<16xf32>
          scf.yield %select_n3A_198 : vector<16xf32>
        } else {
          %broadcast_in_dim3A_117 = arith.constant 0xFF800000 : f32
          %broadcast_in_dim3A_118 = vector.broadcast %broadcast_in_dim3A_117 : f32 to vector<16xf32>
          %parallel_loop3A = arith.constant 0 : i32
          %parallel_loop3A_119 = arith.constant 32 : i32
          %parallel_loop3A_120 = arith.constant 1 : i32
          %parallel_loop3A_121 = scf.for %parallel_loop3A_139 = %parallel_loop3A to %parallel_loop3A_119 step %parallel_loop3A_120 iter_args(%parallel_loop3A_140 = %broadcast_in_dim3A_118) -> (vector<16xf32>)  : i32 {
            %parallel_loop3A_141 = arith.constant 16 : i32
            %parallel_loop3A_142 = arith.muli %parallel_loop3A_139, %parallel_loop3A_141 : i32
            %parallel_loop3A_143 = arith.index_cast %and3A_37 : i32 to index
            %parallel_loop3A_144 = arith.index_cast %scan3A_66 : i32 to index
            %parallel_loop3A_145 = arith.index_cast %parallel_loop3A_142 : i32 to index
            %parallel_loop3A_146 = tpu.vector_load %arg5[%parallel_loop3A_143, %parallel_loop3A_144, %parallel_loop3A_145] {strides = array<i32>} : memref<2x32x512xf32, #tpu.memory_space<vmem>>, vector<16xf32>,
            %parallel_loop3A_147 = arith.maximumf %parallel_loop3A_140, %parallel_loop3A_146 : vector<16xf32>
            scf.yield %parallel_loop3A_147 : vector<16xf32>
          } {sc.loop_unroll_factor = 8 : i64, sc.parallel_access}
          %reduce_max3A = arith.constant true
          %reduce_max3A_122 = vector.broadcast %reduce_max3A : i1 to vector<16xi1>
          %reduce_max3A_123 = tpu.scan <max>, %parallel_loop3A_121 masked %reduce_max3A_122 : vector<16xf32>, vector<16xi1> -> vector<16xf32>
          %reduce_max3A_124 = vector.extract %reduce_max3A_123[15] : f32 from vector<16xf32>
          %eq3A_125 = arith.constant 1 : i32
          %eq3A_126 = vector.broadcast %eq3A_125 : i32 to vector<16xi32>
          %eq3A_127 = arith.cmpi eq, %gather3A_108, %eq3A_126 : vector<16xi32>
          %and3A_128 = arith.andi %eq3A_6, %eq3A_127 : vector<16xi1>
          %lt3A_129 = arith.constant 1.000000e+00 : f32
          %lt3A_130 = arith.cmpf olt, %reduce_max3A_124, %lt3A_129 : f32
          %and3A_131 = vector.broadcast %lt3A_130 : i1 to vector<16xi1>
          %and3A_132 = arith.andi %and3A_128, %and3A_131 : vector<16xi1>
          %sub3A_133 = arith.constant 1.000000e+00 : f32
          %sub3A_134 = arith.subf %sub3A_133, %reduce_max3A_124 : f32
          %jit3A_135 = arith.constant 0.000000e+00 : f32
          %broadcast_in_dim3A_136 = vector.broadcast %sub3A_134 : f32 to vector<16xf32>
          %broadcast_in_dim3A_137 = vector.broadcast %jit3A_135 : f32 to vector<16xf32>
          %select_n3A_138 = arith.select %and3A_132, %broadcast_in_dim3A_136, %broadcast_in_dim3A_137 : vector<16xi1>, vector<16xf32>
          scf.yield %select_n3A_138 : vector<16xf32>
        }
        %add3A_116 = arith.addf %scan3A_67, %cond3A_115 : vector<16xf32>
        scf.yield %add3A_116 : vector<16xf32>
      }
      %scan3A_65 = arith.constant 32 : i32
      scf.yield %scan3A_64 : vector<16xf32>
    }
    %scan3A_33 = arith.constant 21 : i32
    %swap3A = arith.constant 0 : index
    %swap3A_34 = tpu.vector_load %arg8[%swap3A] {strides = array<i32>} : memref<16xf32, #tpu.memory_space<vmem>>, vector<16xf32>,
    tpu.vector_store %arg8[%swap3A], %scan3A_32 {strides = array<i32>} : memref<16xf32, #tpu.memory_space<vmem>>, vector<16xf32>,
    "tpu.region"() ({
      %run_scoped3A = tpu.sem_alloc : memref<!tpu.dma_semaphore, #tpu.memory_space<semaphore_mem>>
      %dma_start3A_35 = arith.constant 0 : i32
      %dma_start3A_36 = tpu.memref_slice %arg4[%add3A, %dma_start3A_35] : memref<32x16xf32, #tpu.memory_space<hbm>> -> memref<1x16xf32, #tpu.memory_space<hbm>>
      %dma_start3A_37 = tpu.memref_squeeze %dma_start3A_36 : memref<1x16xf32, #tpu.memory_space<hbm>> -> memref<16xf32, #tpu.memory_space<hbm>>
      %dma_start3A_38 = arith.constant 0 : i32
      %dma_start3A_39 = tpu.memref_slice %arg4[%add3A, %dma_start3A_38] : memref<32x16xf32, #tpu.memory_space<hbm>> -> memref<1x16xf32, #tpu.memory_space<hbm>>
      %dma_start3A_40 = tpu.memref_squeeze %dma_start3A_39 : memref<1x16xf32, #tpu.memory_space<hbm>> -> memref<16xf32, #tpu.memory_space<hbm>>
      tpu.enqueue_dma source(%arg8 : memref<16xf32, #tpu.memory_space<vmem>>) target(%dma_start3A_40 : memref<16xf32, #tpu.memory_space<hbm>>) target_semaphore(%run_scoped3A : memref<!tpu.dma_semaphore, #tpu.memory_space<semaphore_mem>>)
      %dma_wait3A = arith.constant 0 : i32
      %dma_wait3A_41 = tpu.memref_slice %arg4[%add3A, %dma_wait3A] : memref<32x16xf32, #tpu.memory_space<hbm>> -> memref<1x16xf32, #tpu.memory_space<hbm>>
      %dma_wait3A_42 = tpu.memref_squeeze %dma_wait3A_41 : memref<1x16xf32, #tpu.memory_space<hbm>> -> memref<16xf32, #tpu.memory_space<hbm>>
      %dma_wait3A_43 = arith.constant 0 : i32
      %dma_wait3A_44 = tpu.memref_slice %arg4[%add3A, %dma_wait3A_43] : memref<32x16xf32, #tpu.memory_space<hbm>> -> memref<1x16xf32, #tpu.memory_space<hbm>>
      %dma_wait3A_45 = tpu.memref_squeeze %dma_wait3A_44 : memref<1x16xf32, #tpu.memory_space<hbm>> -> memref<16xf32, #tpu.memory_space<hbm>>
      tpu.wait_dma2 semaphore(%run_scoped3A : memref<!tpu.dma_semaphore, #tpu.memory_space<semaphore_mem>>) src(%arg8 : memref<16xf32, #tpu.memory_space<vmem>>) dst(%dma_wait3A_45 : memref<16xf32, #tpu.memory_space<hbm>>)
      tpu.yield
    }) : () -> ()
    return
  }
}

module attributes {stable_mosaic.version = 14 : i64} {
  func.func @_tc_block(%arg0: i32, %arg1: memref<256x512xf32, #tpu.memory_space<vmem>>, %arg2: memref<1x1x256xi32, #tpu.memory_space<vmem>>, %arg3: memref<512x512xbf16, #tpu.memory_space<vmem>>, %arg4: memref<1x1x128xf32, #tpu.memory_space<vmem>>) attributes {dimension_semantics = [#tpu.dimension_semantics<arbitrary>], iteration_bounds = array<i64: 44>, scalar_prefetch = 0 : i64, scratch_operands = 0 : i64, tpu.core_type = #tpu.core_type<tc>, window_params = [{transform_indices = @transform_0, window_bounds = array<i64: 256, 512>}, {transform_indices = @transform_1, window_bounds = array<i64: 1, 1, 256>}, {pipeline_mode = #tpu.pipeline_mode<synchronous>, transform_indices = @transform_2, window_bounds = array<i64: 512, 512>}, {transform_indices = @transform_3, window_bounds = array<i64: 1, 1, 128>}]} {
    %get3A = arith.constant 0 : index
    %get3A_0 = arith.constant 0 : index
    %get3A_1 = vector.load %arg1[%get3A, %get3A_0] : memref<256x512xf32, #tpu.memory_space<vmem>>, vector<256x512xf32>
    %get3A_2 = arith.constant 0 : index
    %get3A_3 = arith.constant 0 : index
    %get3A_4 = arith.constant 0 : index
    %get3A_5 = vector.load %arg2[%get3A_2, %get3A_3, %get3A_4] : memref<1x1x256xi32, #tpu.memory_space<vmem>>, vector<1x1x256xi32>
    %get3A_6 = vector.shape_cast %get3A_5 : vector<1x1x256xi32> to vector<256xi32>
    %ge3A = arith.constant 1.000000e+00 : f32
    %ge3A_7 = vector.broadcast %ge3A : f32 to vector<256x512xf32>
    %ge3A_8 = arith.cmpf oge, %get3A_1, %ge3A_7 : vector<256x512xf32>
    %convert_element_type3A = arith.extui %ge3A_8 : vector<256x512xi1> to vector<256x512xi32>
    %convert_element_type3A_9 = arith.sitofp %convert_element_type3A : vector<256x512xi32> to vector<256x512xf32>
    %convert_element_type3A_10 = arith.truncf %convert_element_type3A_9 : vector<256x512xf32> to vector<256x512xbf16>
    %get3A_11 = arith.constant 0 : index
    %get3A_12 = arith.constant 0 : index
    %get3A_13 = vector.load %arg3[%get3A_11, %get3A_12] : memref<512x512xbf16, #tpu.memory_space<vmem>>, vector<512x512xbf16>
    %dot_general3A = arith.constant dense<0.000000e+00> : vector<256x512xf32>
    %dot_general3A_14 = tpu.matmul %convert_element_type3A_10, %get3A_13, %dot_general3A {dimension_numbers = #tpu.dot_dimension_numbers<[1], [0], [0], [1], [0, 0, 1, 1], [], []>, transpose_lhs_hint = false} : vector<256x512xbf16>, vector<512x512xbf16>, vector<256x512xf32> -> vector<256x512xf32>
    %broadcast_in_dim3A = arith.constant 0.000000e+00 : f32
    %broadcast_in_dim3A_15 = vector.broadcast %broadcast_in_dim3A : f32 to vector<256x6xf32>
    %slice3A = vector.extract_strided_slice %broadcast_in_dim3A_15 {offsets = [0, 0], sizes = [256, 1], strides = [1, 1]} : vector<256x6xf32> to vector<256x1xf32>
    %slice3A_16 = vector.extract_strided_slice %dot_general3A_14 {offsets = [0, 0], sizes = [256, 511], strides = [1, 1]} : vector<256x512xf32> to vector<256x511xf32>
    %concatenate3A = tpu.concatenate %slice3A, %slice3A_16 in 1 : vector<256x1xf32>, vector<256x511xf32> -> vector<256x512xf32>
    %slice3A_17 = vector.extract_strided_slice %dot_general3A_14 {offsets = [0, 0], sizes = [256, 506], strides = [1, 1]} : vector<256x512xf32> to vector<256x506xf32>
    %concatenate3A_18 = tpu.concatenate %broadcast_in_dim3A_15, %slice3A_17 in 1 : vector<256x6xf32>, vector<256x506xf32> -> vector<256x512xf32>
    %slice3A_19 = vector.extract_strided_slice %dot_general3A_14 {offsets = [0, 5], sizes = [256, 507], strides = [1, 1]} : vector<256x512xf32> to vector<256x507xf32>
    %slice3A_20 = vector.extract_strided_slice %dot_general3A_14 {offsets = [0, 511], sizes = [256, 1], strides = [1, 1]} : vector<256x512xf32> to vector<256x1xf32>
    %broadcast_in_dim3A_21 = vector.shape_cast %slice3A_20 : vector<256x1xf32> to vector<256x1xf32>
    %broadcast_in_dim3A_22 = vector.broadcast %broadcast_in_dim3A_21 : vector<256x1xf32> to vector<256x5xf32>
    %concatenate3A_23 = tpu.concatenate %slice3A_19, %broadcast_in_dim3A_22 in 1 : vector<256x507xf32>, vector<256x5xf32> -> vector<256x512xf32>
    %eq3A = arith.cmpf oeq, %concatenate3A, %concatenate3A_18 : vector<256x512xf32>
    %and3A = arith.andi %ge3A_8, %eq3A : vector<256x512xi1>
    %eq3A_24 = arith.cmpf oeq, %concatenate3A_23, %dot_general3A_14 : vector<256x512xf32>
    %and3A_25 = arith.andi %ge3A_8, %eq3A_24 : vector<256x512xi1>
    %jit3A = arith.constant 0.000000e+00 : f32
    %broadcast_in_dim3A_26 = vector.broadcast %jit3A : f32 to vector<256x512xf32>
    %select_n3A = arith.select %and3A, %dot_general3A_14, %broadcast_in_dim3A_26 : vector<256x512xi1>, vector<256x512xf32>
    %broadcast_in_dim3A_27 = arith.constant 0.000000e+00 : f32
    %broadcast_in_dim3A_28 = vector.broadcast %broadcast_in_dim3A_27 : f32 to vector<256x1xf32>
    %slice3A_29 = vector.extract_strided_slice %select_n3A {offsets = [0, 0], sizes = [256, 511], strides = [1, 1]} : vector<256x512xf32> to vector<256x511xf32>
    %concatenate3A_30 = tpu.concatenate %broadcast_in_dim3A_28, %slice3A_29 in 1 : vector<256x1xf32>, vector<256x511xf32> -> vector<256x512xf32>
    %max3A = arith.maximumf %select_n3A, %concatenate3A_30 : vector<256x512xf32>
    %broadcast_in_dim3A_31 = arith.constant 0.000000e+00 : f32
    %broadcast_in_dim3A_32 = vector.broadcast %broadcast_in_dim3A_31 : f32 to vector<256x2xf32>
    %slice3A_33 = vector.extract_strided_slice %max3A {offsets = [0, 0], sizes = [256, 510], strides = [1, 1]} : vector<256x512xf32> to vector<256x510xf32>
    %concatenate3A_34 = tpu.concatenate %broadcast_in_dim3A_32, %slice3A_33 in 1 : vector<256x2xf32>, vector<256x510xf32> -> vector<256x512xf32>
    %max3A_35 = arith.maximumf %max3A, %concatenate3A_34 : vector<256x512xf32>
    %broadcast_in_dim3A_36 = arith.constant 0.000000e+00 : f32
    %broadcast_in_dim3A_37 = vector.broadcast %broadcast_in_dim3A_36 : f32 to vector<256x4xf32>
    %slice3A_38 = vector.extract_strided_slice %max3A_35 {offsets = [0, 0], sizes = [256, 508], strides = [1, 1]} : vector<256x512xf32> to vector<256x508xf32>
    %concatenate3A_39 = tpu.concatenate %broadcast_in_dim3A_37, %slice3A_38 in 1 : vector<256x4xf32>, vector<256x508xf32> -> vector<256x512xf32>
    %max3A_40 = arith.maximumf %max3A_35, %concatenate3A_39 : vector<256x512xf32>
    %broadcast_in_dim3A_41 = arith.constant 0.000000e+00 : f32
    %broadcast_in_dim3A_42 = vector.broadcast %broadcast_in_dim3A_41 : f32 to vector<256x8xf32>
    %slice3A_43 = vector.extract_strided_slice %max3A_40 {offsets = [0, 0], sizes = [256, 504], strides = [1, 1]} : vector<256x512xf32> to vector<256x504xf32>
    %concatenate3A_44 = tpu.concatenate %broadcast_in_dim3A_42, %slice3A_43 in 1 : vector<256x8xf32>, vector<256x504xf32> -> vector<256x512xf32>
    %max3A_45 = arith.maximumf %max3A_40, %concatenate3A_44 : vector<256x512xf32>
    %broadcast_in_dim3A_46 = arith.constant 0.000000e+00 : f32
    %broadcast_in_dim3A_47 = vector.broadcast %broadcast_in_dim3A_46 : f32 to vector<256x16xf32>
    %slice3A_48 = vector.extract_strided_slice %max3A_45 {offsets = [0, 0], sizes = [256, 496], strides = [1, 1]} : vector<256x512xf32> to vector<256x496xf32>
    %concatenate3A_49 = tpu.concatenate %broadcast_in_dim3A_47, %slice3A_48 in 1 : vector<256x16xf32>, vector<256x496xf32> -> vector<256x512xf32>
    %max3A_50 = arith.maximumf %max3A_45, %concatenate3A_49 : vector<256x512xf32>
    %broadcast_in_dim3A_51 = arith.constant 0.000000e+00 : f32
    %broadcast_in_dim3A_52 = vector.broadcast %broadcast_in_dim3A_51 : f32 to vector<256x32xf32>
    %slice3A_53 = vector.extract_strided_slice %max3A_50 {offsets = [0, 0], sizes = [256, 480], strides = [1, 1]} : vector<256x512xf32> to vector<256x480xf32>
    %concatenate3A_54 = tpu.concatenate %broadcast_in_dim3A_52, %slice3A_53 in 1 : vector<256x32xf32>, vector<256x480xf32> -> vector<256x512xf32>
    %max3A_55 = arith.maximumf %max3A_50, %concatenate3A_54 : vector<256x512xf32>
    %broadcast_in_dim3A_56 = arith.constant 0.000000e+00 : f32
    %broadcast_in_dim3A_57 = vector.broadcast %broadcast_in_dim3A_56 : f32 to vector<256x64xf32>
    %slice3A_58 = vector.extract_strided_slice %max3A_55 {offsets = [0, 0], sizes = [256, 448], strides = [1, 1]} : vector<256x512xf32> to vector<256x448xf32>
    %concatenate3A_59 = tpu.concatenate %broadcast_in_dim3A_57, %slice3A_58 in 1 : vector<256x64xf32>, vector<256x448xf32> -> vector<256x512xf32>
    %max3A_60 = arith.maximumf %max3A_55, %concatenate3A_59 : vector<256x512xf32>
    %broadcast_in_dim3A_61 = arith.constant 0.000000e+00 : f32
    %broadcast_in_dim3A_62 = vector.broadcast %broadcast_in_dim3A_61 : f32 to vector<256x128xf32>
    %slice3A_63 = vector.extract_strided_slice %max3A_60 {offsets = [0, 0], sizes = [256, 384], strides = [1, 1]} : vector<256x512xf32> to vector<256x384xf32>
    %concatenate3A_64 = tpu.concatenate %broadcast_in_dim3A_62, %slice3A_63 in 1 : vector<256x128xf32>, vector<256x384xf32> -> vector<256x512xf32>
    %max3A_65 = arith.maximumf %max3A_60, %concatenate3A_64 : vector<256x512xf32>
    %broadcast_in_dim3A_66 = arith.constant 0.000000e+00 : f32
    %broadcast_in_dim3A_67 = vector.broadcast %broadcast_in_dim3A_66 : f32 to vector<256x256xf32>
    %slice3A_68 = vector.extract_strided_slice %max3A_65 {offsets = [0, 0], sizes = [256, 256], strides = [1, 1]} : vector<256x512xf32> to vector<256x256xf32>
    %concatenate3A_69 = tpu.concatenate %broadcast_in_dim3A_67, %slice3A_68 in 1 : vector<256x256xf32>, vector<256x256xf32> -> vector<256x512xf32>
    %max3A_70 = arith.maximumf %max3A_65, %concatenate3A_69 : vector<256x512xf32>
    %sub3A = arith.subf %dot_general3A_14, %max3A_70 : vector<256x512xf32>
    %convert_element_type3A_71 = arith.fptosi %sub3A : vector<256x512xf32> to vector<256x512xi32>
    %add3A = arith.constant 1 : i32
    %add3A_72 = vector.broadcast %add3A : i32 to vector<256x512xi32>
    %add3A_73 = arith.addi %convert_element_type3A_71, %add3A_72 : vector<256x512xi32>
    %iota3A = tpu.iota {dimensions = array<i32: 1>} : vector<256x512xi32>
    %mul3A = arith.constant 1024 : i32
    %mul3A_74 = vector.broadcast %mul3A : i32 to vector<256x512xi32>
    %mul3A_75 = arith.muli %add3A_73, %mul3A_74 : vector<256x512xi32>
    %add3A_76 = arith.addi %mul3A_75, %iota3A : vector<256x512xi32>
    %jit3A_77 = arith.constant 4194304 : i32
    %broadcast_in_dim3A_78 = vector.broadcast %jit3A_77 : i32 to vector<256x512xi32>
    %select_n3A_79 = arith.select %and3A_25, %add3A_76, %broadcast_in_dim3A_78 : vector<256x512xi1>, vector<256x512xi32>
    %reduce_min3A = arith.constant dense<2147483647> : vector<256xi32>
    %reduce_min3A_80 = vector.multi_reduction <minsi>, %select_n3A_79, %reduce_min3A [1] : vector<256x512xi32> to vector<256xi32>
    %and3A_81 = arith.constant 1023 : i32
    %and3A_82 = vector.broadcast %and3A_81 : i32 to vector<256xi32>
    %and3A_83 = arith.andi %reduce_min3A_80, %and3A_82 : vector<256xi32>
    %broadcast_in_dim3A_84 = vector.shape_cast %and3A_83 : vector<256xi32> to vector<256x1xi32>
    %eq3A_85 = vector.broadcast %broadcast_in_dim3A_84 : vector<256x1xi32> to vector<256x512xi32>
    %eq3A_86 = arith.cmpi eq, %iota3A, %eq3A_85 : vector<256x512xi32>
    %jit3A_87 = arith.constant 0.000000e+00 : f32
    %broadcast_in_dim3A_88 = vector.broadcast %jit3A_87 : f32 to vector<256x512xf32>
    %select_n3A_89 = arith.select %eq3A_86, %get3A_1, %broadcast_in_dim3A_88 : vector<256x512xi1>, vector<256x512xf32>
    %reduce_sum3A = arith.constant dense<0.000000e+00> : vector<256xf32>
    %reduce_sum3A_90 = vector.multi_reduction <add>, %select_n3A_89, %reduce_sum3A [1] : vector<256x512xf32> to vector<256xf32>
    %reduce_max3A = arith.constant dense<0xFF800000> : vector<256xf32>
    %reduce_max3A_91 = vector.multi_reduction <maximumf>, %get3A_1, %reduce_max3A [1] : vector<256x512xf32> to vector<256xf32>
    %slice3A_92 = vector.extract_strided_slice %dot_general3A_14 {offsets = [0, 511], sizes = [256, 1], strides = [1, 1]} : vector<256x512xf32> to vector<256x1xf32>
    %squeeze3A = vector.shape_cast %slice3A_92 : vector<256x1xf32> to vector<256xf32>
    %gt3A = arith.constant 0.000000e+00 : f32
    %gt3A_93 = vector.broadcast %gt3A : f32 to vector<256xf32>
    %gt3A_94 = arith.cmpf ogt, %squeeze3A, %gt3A_93 : vector<256xf32>
    %eq3A_95 = arith.constant 0 : i32
    %eq3A_96 = vector.broadcast %eq3A_95 : i32 to vector<256xi32>
    %eq3A_97 = arith.cmpi eq, %get3A_6, %eq3A_96 : vector<256xi32>
    %and3A_98 = arith.andi %eq3A_97, %gt3A_94 : vector<256xi1>
    %sub3A_99 = arith.constant 1.000000e+00 : f32
    %sub3A_100 = vector.broadcast %sub3A_99 : f32 to vector<256xf32>
    %sub3A_101 = arith.subf %reduce_sum3A_90, %sub3A_100 : vector<256xf32>
    %jit3A_102 = arith.constant 0.000000e+00 : f32
    %broadcast_in_dim3A_103 = vector.broadcast %jit3A_102 : f32 to vector<256xf32>
    %select_n3A_104 = arith.select %and3A_98, %sub3A_101, %broadcast_in_dim3A_103 : vector<256xi1>, vector<256xf32>
    %eq3A_105 = arith.constant 1 : i32
    %eq3A_106 = vector.broadcast %eq3A_105 : i32 to vector<256xi32>
    %eq3A_107 = arith.cmpi eq, %get3A_6, %eq3A_106 : vector<256xi32>
    %not3A = arith.constant dense<true> : vector<256xi1>
    %not3A_108 = arith.xori %gt3A_94, %not3A : vector<256xi1>
    %and3A_109 = arith.andi %eq3A_107, %not3A_108 : vector<256xi1>
    %sub3A_110 = arith.constant 1.000000e+00 : f32
    %sub3A_111 = vector.broadcast %sub3A_110 : f32 to vector<256xf32>
    %sub3A_112 = arith.subf %sub3A_111, %reduce_max3A_91 : vector<256xf32>
    %jit3A_113 = arith.constant 0.000000e+00 : f32
    %broadcast_in_dim3A_114 = vector.broadcast %jit3A_113 : f32 to vector<256xf32>
    %select_n3A_115 = arith.select %and3A_109, %sub3A_112, %broadcast_in_dim3A_114 : vector<256xi1>, vector<256xf32>
    %add3A_116 = arith.addf %select_n3A_104, %select_n3A_115 : vector<256xf32>
    %reduce_sum3A_117 = vector.shape_cast %add3A_116 : vector<256xf32> to vector<1x256xf32>
    %reduce_sum3A_118 = arith.constant dense<0.000000e+00> : vector<1xf32>
    %reduce_sum3A_119 = vector.multi_reduction <add>, %reduce_sum3A_117, %reduce_sum3A_118 [1] : vector<1x256xf32> to vector<1xf32>
    %reduce_sum3A_120 = vector.shape_cast %reduce_sum3A_119 : vector<1xf32> to vector<1x1xf32>
    %reduce_sum3A_121 = vector.extract %reduce_sum3A_120[0, 0] : f32 from vector<1x1xf32>
    %broadcast_in_dim3A_122 = vector.broadcast %reduce_sum3A_121 : f32 to vector<128xf32>
    %swap3A = arith.constant 0 : index
    %swap3A_123 = arith.constant 0 : index
    %swap3A_124 = arith.constant 0 : index
    %swap3A_125 = vector.load %arg4[%swap3A, %swap3A_123, %swap3A_124] : memref<1x1x128xf32, #tpu.memory_space<vmem>>, vector<1x1x128xf32>
    %swap3A_126 = vector.shape_cast %swap3A_125 : vector<1x1x128xf32> to vector<128xf32>
    %swap3A_127 = vector.shape_cast %broadcast_in_dim3A_122 : vector<128xf32> to vector<1x1x128xf32>
    tpu.vector_store %arg4[%swap3A, %swap3A_123, %swap3A_124], %swap3A_127 {strides = array<i32>} : memref<1x1x128xf32, #tpu.memory_space<vmem>>, vector<1x1x128xf32>,
    return
  }
  func.func @transform_0(%arg0: i32) -> (i32, i32) {
    %c0_i32 = arith.constant 0 : i32
    %c0_i32_0 = arith.constant 0 : i32
    return %arg0, %c0_i32 : i32, i32
  }
  func.func @transform_1(%arg0: i32) -> (i32, i32, i32) {
    %c0_i32 = arith.constant 0 : i32
    %c0_i32_0 = arith.constant 0 : i32
    %c0_i32_1 = arith.constant 0 : i32
    return %arg0, %c0_i32, %c0_i32_0 : i32, i32, i32
  }
  func.func @transform_2(%arg0: i32) -> (i32, i32) {
    %c0_i32 = arith.constant 0 : i32
    %c0_i32_0 = arith.constant 0 : i32
    %c0_i32_1 = arith.constant 0 : i32
    return %c0_i32, %c0_i32_0 : i32, i32
  }
  func.func @transform_3(%arg0: i32) -> (i32, i32, i32) {
    %c0_i32 = arith.constant 0 : i32
    %c0_i32_0 = arith.constant 0 : i32
    %c0_i32_1 = arith.constant 0 : i32
    return %arg0, %c0_i32, %c0_i32_0 : i32, i32, i32
  }
}

</mosaic_0001>

<sc_bundles>
// kernel: kernel.4.cloned.1.call-start
scs
__scs_entry_jumppad:
0x0: {  	(pc) =	sbr.rel $0x88, $3  }
0x1: {  	(tag) =	ssettag $0x0;
	lr =	simm.s32 $0x1  }
0x2: {  	[smem:$0x3F9F] =	sst lr;
	_ =	strace $0xD0000000  }
0x3: {  	_ = 	snop  }
0x4: {  	_ = 	snop  }
0x5: {  	_ = 	snop  }
0x6: {  	_ = 	snop  }
0x7: {  	_ = 	snop  }
__scs_overlays_trampoline_lowered:
0x8: {  	[smem:$0x3FAE] =	sst s0  }
0x9: {  	[smem:$0x3FAF] =	sst s1  }
0xa: {  	[smem:$0x3FB0] =	sst s2  }
0xb: {  	[smem:$0x3FB1] =	sst s3  }
0xc: {  	[smem:$0x3FB2] =	sst s4  }
0xd: {  	[smem:$0x3FB3] =	sst s5  }
0xe: {  	[smem:$0x3FB4] =	sst s6  }
0xf: {  	[smem:$0x3FB5] =	sst s7  }
0x10: {  	[smem:$0x3FB6] =	sst s8  }
0x11: {  	[smem:$0x3FB7] =	sst s9;
	s0 =	simm.s32 @!p0 $0x0  }
0x12: {  	s1 =	sld [smem:$0x3F9D];
	s0 =	simm.s32 @p0 $0x1  }
0x13: {  	[smem:$0x3FB8] =	sst s0;
	s0 =	simm.s32 @!p1 $0x0  }
0x14: {  	s2 =	sld [smem:$0x3F9C];
	s0 =	simm.s32 @p1 $0x1  }
0x15: {  	[smem:$0x3FB9] =	sst s0;
	s0 =	simm.s32 @!p2 $0x0  }
0x16: {  	s3 =	sld [smem:$0x3FDB];
	s0 =	simm.s32 @p2 $0x1  }
0x17: {  	s4 =	simm.s32 $0x1BF5;
	[smem:$0x3FBB] =	sst s0  }
0x18: {  	s0 =	sld [smem:$0x3F9E];
	_ =	swait.ge [sflag:s4], $0x0  }
0x19: {  	s7 =	sld [smem:$0x3F9F]  }
0x1a: {  	s8 =	sadd.s32 $0xFFFFE003, lr  }
0x1b: {  	s9 =	sadd.s32 $0xFFFFFEF7, lr;
	s5 =	simm.s32 $0xFFFFFFFF;
	p2 =	slt.u32 s8, $0xFFFFF086  }
0x1c: {  	p1 =	slt.u32 s9, $0xF7A;
	s5 =	simm.s32 @!p2 $0x0  }
0x1d: {  	s5 =	simm.s32 @p1 $0x1;
	p0 =	seq.s32 s7, s2  }
0x1e: {  	s7 =	smul.u32 @!p0 $0xF7A, s2;
	p2 =	seq.s32 @!p0 s5, $0x0  }
0x1f: {  	s9 =	smul.u32 $0xF7A, s1;
	s8 =	simm.s32 @!p0 $0x1BF5;
	p2 =	por !p2, p0  }
0x20: {  	[sflag:s8] =	ssyncset.s32 @!p0 $0xFFFFF086;
	s6 =	sadd.s32 @!p0 s3, s7;
	s7 =	simm.s32 @!p0 $0x108  }
0x21: {  	s3 =	sadd.s32 s3, s9;
	s6 =	sadd.s32 @!p0 $0x88, s6;
	s7 =	simm.s32 @p2 $0x1082  }
0x22: {  	[simem:s7], [sflag:s8] =	dma.local @!p0 [hbm:s6], $0xF7A  }
0x23: {  	s9 =	sor.u32 $0xD0000000, s2;
	s6 =	simm.s32 $0x108;
	_ =	swait.ge @!p0 [sflag:s8], $0x0  }
0x24: {  	s3 =	sadd.s32 $0x88, s3;
	s6 =	simm.s32 @!p1 $0x1082;
	[sflag:s4] =	ssyncset.s32 $0xFFFFF086  }
0x25: {  	[simem:s6], [sflag:s4] =	dma.local [hbm:s3], $0xF7A  }
0x26: {  	[smem:$0x3F9F] =	sst s1;
	(tag) =	ssettag s2;
	_ =	strace s9  }
0x27: {  	s1 =	sld [smem:$0x3FAF]  }
0x28: {  	s2 =	sld [smem:$0x3FB0]  }
0x29: {  	s4 =	sld [smem:$0x3FB2]  }
0x2a: {  	p0 =	seq.s32 s5, $0x0;
	s5 =	sld [smem:$0x3FB3]  }
0x2b: {  	s6 =	sld [smem:$0x3FB4]  }
0x2c: {  	s7 =	sld [smem:$0x3FB5]  }
0x2d: {  	s3 =	simm.s32 $0x108;
	s8 =	sld [smem:$0x3FB6]  }
0x2e: {  	s3 =	simm.s32 @!p0 $0x1082;
	s9 =	sld [smem:$0x3FB7]  }
0x2f: {  	lr =	sadd.s32 s0, s3;
	s0 =	sld [smem:$0x3FAE]  }
0x30: {  	s3 =	sld [smem:$0x3FB1]  }
0x31: {  	[smem:$0x3FBA] =	sst s10  }
0x32: {  	s10 =	sld [smem:$0x3FB8];
	_ =	sdelay $0x3  }
0x33: {  	p0 =	seq.s32 s10, $0x1;
	s10 =	sld [smem:$0x3FBA];
	_ =	sdelay $0x3  }
0x34: {  	[smem:$0x3FBA] =	sst s10  }
0x35: {  	s10 =	sld [smem:$0x3FB9];
	_ =	sdelay $0x3  }
0x36: {  	p1 =	seq.s32 s10, $0x1;
	s10 =	sld [smem:$0x3FBA];
	_ =	sdelay $0x3  }
0x37: {  	[smem:$0x3FBA] =	sst s10  }
0x38: {  	s10 =	sld [smem:$0x3FBB]  }
0x39: {  	_ = 	snop;
	(pc) =	sbr.ind lr, $3  }
0x3a: {  	_ = 	snop  }
0x3b: {  	_ = 	snop  }
0x3c: {  	p2 =	seq.s32 s10, $0x1;
	s10 =	sld [smem:$0x3FBA]  }
0x3d: {  	_ =	shalt  }
0x3e: {  	_ =	shalt  }
0x3f: {  	_ =	shalt  }
0x40: {  	_ =	shalt  }
0x41: {  	_ =	shalt  }
0x42: {  	_ =	shalt  }
0x43: {  	_ =	shalt  }
0x44: {  	_ =	shalt  }
0x45: {  	_ =	shalt  }
0x46: {  	_ =	shalt  }
0x47: {  	_ =	shalt  }
0x48: {  	_ =	shalt  }
0x49: {  	_ =	shalt  }
0x4a: {  	_ =	shalt  }
0x4b: {  	_ =	shalt  }
0x4c: {  	_ =	shalt  }
0x4d: {  	_ =	shalt  }
0x4e: {  	_ =	shalt  }
0x4f: {  	_ =	shalt  }
0x50: {  	_ =	shalt  }
0x51: {  	_ =	shalt  }
0x52: {  	_ =	shalt  }
0x53: {  	_ =	shalt  }
0x54: {  	_ =	shalt  }
0x55: {  	_ =	shalt  }
0x56: {  	_ =	shalt  }
0x57: {  	_ =	shalt  }
0x58: {  	_ =	shalt  }
0x59: {  	_ =	shalt  }
0x5a: {  	_ =	shalt  }
0x5b: {  	_ =	shalt  }
0x5c: {  	_ =	shalt  }
0x5d: {  	_ =	shalt  }
0x5e: {  	_ =	shalt  }
0x5f: {  	_ =	shalt  }
0x60: {  	_ =	shalt  }
0x61: {  	_ =	shalt  }
0x62: {  	_ =	shalt  }
0x63: {  	_ =	shalt  }
0x64: {  	_ =	shalt  }
0x65: {  	_ =	shalt  }
0x66: {  	_ =	shalt  }
0x67: {  	_ =	shalt  }
0x68: {  	_ =	shalt  }
0x69: {  	_ =	shalt  }
0x6a: {  	_ =	shalt  }
0x6b: {  	_ =	shalt  }
0x6c: {  	_ =	shalt  }
0x6d: {  	_ =	shalt  }
0x6e: {  	_ =	shalt  }
0x6f: {  	_ =	shalt  }
0x70: {  	_ =	shalt  }
0x71: {  	_ =	shalt  }
0x72: {  	_ =	shalt  }
0x73: {  	_ =	shalt  }
0x74: {  	_ =	shalt  }
0x75: {  	_ =	shalt  }
0x76: {  	_ =	shalt  }
0x77: {  	_ =	shalt  }
0x78: {  	_ =	shalt  }
0x79: {  	_ =	shalt  }
0x7a: {  	_ =	shalt  }
0x7b: {  	_ =	shalt  }
0x7c: {  	_ =	shalt  }
0x7d: {  	_ =	shalt  }
0x7e: {  	_ =	shalt  }
0x7f: {  	_ =	shalt  }
0x80: {  	_ =	shalt  }
0x81: {  	_ =	shalt  }
0x82: {  	_ =	shalt  }
0x83: {  	_ =	shalt  }
0x84: {  	_ =	shalt  }
0x85: {  	_ =	shalt  }
0x86: {  	_ =	shalt  }
0x87: {  	_ =	shalt  }
.Lfunc_end0:
.L_simem_size_0:
called_computation_lowered:
.L_overlay_start_0:
0x88: {  	s2 =	sld [smem:$0x3FD9]  }
0x89: {  	s3 =	sld [smem:$0x3FFE];
	_ =	sdelay $0x1  }
0x8a: {  	s1 =	srdreg.scid  }
0x8b: {  	s0 =	sand.u32 $0x1, s1  }
0x8c: {  	s17 =	sshll.u32 s0, $0xA;
	s2 =	sadd.s32 s3, s2  }
0x8d: {  	s2 =	sadd.s32 s2, s17  }
0x8e: {  	[smem:$0x3FC6] =	sst s2  }
0x8f: {  	_ = 	snop  }
0x90: {  	s2 =	sld [smem:$0x3FC9]  }
0x91: {  	s18 =	sld [smem:$0x3FC8];
	(tm) =	ssettm $0x1  }
0x92: {  	s4 =	sld [smem:$0x3FFB];
	_ =	sdelay $0x3  }
0x93: {  	_ =	strace s4  }
0x94: {  	s4 =	sld [smem:$0x3FFC];
	_ =	sdelay $0x3  }
0x95: {  	_ =	strace s4  }
0x96: {  	s4 =	sld [smem:$0x3FFD];
	_ =	sdelay $0x3  }
0x97: {  	_ =	strace s4  }
0x98: {  	_ =	strace $0x8FFFFFFF  }
0x99: {  	s19 =	sld [smem:$0x3FDB];
	_ =	sdelay $0x1  }
0x9a: {  	s5 =	simm.s32 $_scs_section_size  }
0x9b: {  	s6 =	simm.s32 $_size__tile_overlayer_lowered;
	s7 =	simm.s32 $_tile_overlayer_lowered  }
0x9c: {  	s22 =	simm.s32 $0x1BFF;
	s21 =	sshll.u32 s7, $0x1;
	s4 =	sadd.s32 s5, s19  }
0x9d: {  	s8 =	simm.s32 $0x0;
	s20 =	sshll.u32 s6, $0x1;
	s6 =	sadd.s32 s21, s4  }
0x9e: {  	[timem:s8], [sflag:s22] =	dma.local [hbm:s6], s20  }
0x9f: {  	_ =	swait.ge [sflag:s22], s20  }
0xa0: {  	s5 =	ssub.s32 $0x0, s20;
	[sflag:s22] =	ssyncset.done $0x0  }
0xa1: {  	[sflag:s22] =	ssyncadd.s32 s5;
	_ =	sdelay $0x1  }
0xa2: {  	s23 =	simm.s32 $0x1B8B  }
0xa3: {  	_ =	swait.ge [sflag:s23], $0x1  }
0xa4: {  	[sflag:s23] =	ssyncset.done $0x0  }
0xa5: {  	s25 =	simm.s32 $0x1B8E;
	s24 =	sld [smem:$0x3FFE];
	[sflag:s23] =	ssyncadd.s32 $0xFFFFFFFF  }
0xa6: {  	s26 =	simm.s32 $execute0_lowered;
	[smem:$0x3FD2] =	sst s25  }
0xa7: {  	s6 =	sshll.u32 s26, $0x1;
	_ =	strace $0x80000046;
	[dreg:$0x1] =	wrdreg $0xFFFFFFFF  }
0xa8: {  	s28 =	simm.s32 $_size_execute0_lowered;
	s4 =	sadd.s32 s4, s6;
	[dreg:$0x0] =	wrdreg $0x0  }
0xa9: {  	s6 =	sshll.u32 s28, $0x1;
	[dreg:$0x2] =	wrdreg s4  }
0xaa: {  	[dreg:$0x3] =	wrdreg s6  }
0xab: {  	[dreg:$0x4] =	wrdreg $0xC0  }
0xac: {  	_ =	task [dreg:s8], $0x5FFFF  }
0xad: {  	[dreg:$0x1] =	wrdreg $0xFFFFFFFF  }
0xae: {  	[dreg:$0x0] =	wrdreg $0x60  }
0xaf: {  	[dreg:$0x2] =	wrdreg s2  }
0xb0: {  	[dreg:$0x3] =	wrdreg s18  }
0xb1: {  	[dreg:$0x4] =	wrdreg s24  }
0xb2: {  	[dreg:$0x5] =	wrdreg $0x9  }
0xb3: {  	_ =	task.clear_ibuf [dreg:s8], $0x6FFFF;
	_ =	strace $0x90000046  }
0xb4: {  	s29 =	simm.s32 $0x9;
	_ =	strace $0x80000048  }
0xb5: {  	_ =	swait.ge [sflag:s29], $0x1  }
0xb6: {  	[sflag:s29] =	ssyncadd.s32 $0xFFFFFFFF  }
0xb7: {  	_ =	strace $0x90000048  }
0xb8: {  	_ =	sfence  }
0xb9: {  	s30 =	sld [smem:$0x0];
	_ =	sdelay $0x2  }
0xba: {  	s31 =	sshll.u32 s1, $0xD;
	s1 =	sshrl.u32 s1, $0x2  }
0xbb: {  	s3 =	sand.u32 $0x4000, s31;
	s1 =	sadd.s32 s1, s30  }
0xbc: {  	s0 =	sor.u32 s3, s0;
	s1 =	sshll.u32 s1, $0x11  }
0xbd: {  	s0 =	sor.u32 s1, s0  }
0xbe: {  	s0 =	sadd.s32 $0x8F2B, s0  }
0xbf: {  	[sflag:s0] =	ssyncadd.remote.s32 $0x1  }
0xc0: {  	_ =	sfence.sel $0xFFFF  }
0xc1: {  	[dreg:$0x0] =	wrdreg $0xFFFFFFFF;
	(pc) =	sbr.abs _section_cstart, $3  }
0xc2: {  	[dreg:$0x1] =	wrdreg $0xFFFFFFFF  }
0xc3: {  	_ =	task.clear_ibuf [dreg:s8], $0x2FFFF;
	_ =	strace $0x9FFFFFFF  }
0xc4: {  	(tm) =	ssettm $0x7FFFFFFF  }
0xc5: {  	_ =	shalt  }
tec
execute0_lowered:
.L_overlay_start_1:
0x0: {  	(tag) =	ssettag $0x1  }
0x1: {  	s4 =	rddreg [dreg:$0x0]  }
0x2: {  	s1 =	srdreg.scid;
	s0 =	stileid.u32  }
0x3: {  	s3 =	rddreg [dreg:$0x1];
	s6 =	sand.u32 $0x1, s1;
	s2 =	sshll.u32 s0, $0x1  }
0x4: {  	s5 =	rddreg [dreg:$0x2];
	v0 =	vimm.s32 $0xEDCBA987;
	s11 =	simm.s32 $0x0;
	s7 =	sor.u32 s6, s2  }
0x5: {  	v1 =	vimm.s32 $0x65432100;
	v0 =	vunpack.c.l.s4.s8 v0;
	s2 =	simm.s32 $0x0;
	s6 =	ssub.s32 $0x2, s6;
	s8 =	smul.u32 $0x2A0, s7  }
.Ltmp0:
0x6: {  	v1 =	vunpack.c.l.s4.s8 v1;
	[smem:$0x7FF] =	sst s2;
	s9 =	sshrl.u32 s6, $0x1;
	(pc) =	sbr.rel .LBB2_1-.Ltmp0, $4  }
0x7: {  	v0 =	vunpack.c.0.s8.s32 v0;
	s7 =	sshll.u32 s7, $0x4;
	_ =	strace $0x80000047;
	s6 =	ssub.s32 s6, s9  }
0x8: {  	vm0 =	vmmov $0x1;
	v2 =	vunpack.c.0.s8.s32 v1;
	s5 =	sadd.s32 s5, s7;
	s9 =	simm.s32 $0x8000;
	s8 =	sadd.s32 $0x2C00, s8  }
0x9: {  	vm1 =	vmxor vm1, vm1;
	v1 =	vlaneseq.u32;
	v3 =	vand.u32 $0xF, v0;
	s6 =	smax.u32 s6, $0x1;
	s31 =	sshrl.u32 s8, $0x3;
	s8 =	sshll.u32 s8, $0x6  }
0xa: {  	v0 =	vimm.s32 $0x0;
	v2 =	vcombine.low v2, v3;
	v3 =	vimm.s32 $0xF;
	s3 =	sadd.s32 s3, s31;
	s4 =	sadd.s32 s4, s8;
	s8 =	simm.s32 $0x3  }
.LBB2_26:
0xb: {  	s11 =	sadd.s32 $0x1, s11  }
0xc: {  	p0 =	sne.s32 s11, s6  }
.Ltmp1:
0xd: {  	[tilespmem:$0x8500] =	vst v4;
	s0 =	simm.s32 $0x8500;
	(pc) =	sbr.rel @!p0 .LBB2_27-.Ltmp1, $4  }
0xe: {  	[hbm4b:s5+s2] =	stream.linear.scatter [tilespmem:s0], [sflag:$0x3], $0x80, $0x38;
	[tilespmem:$0x8580] =	vst v63  }
0xf: {  	_ =	swait.ge [sflag:s8], $0x80  }
0x10: {  	[sflag:s8] =	ssyncset.done $0x0  }
0x11: {  	[sflag:s8] =	ssyncadd.s32 $0xFFFFFF80  }
.LBB2_1:
0x12: {  	s0 =	simm.s32 $0x8200  }
0x13: {  	[tilespmem:s0], [sflag:$0x3] =	stream.linear.gather [hbm4b:s3+s2], $0x2A0, $0x38;
	[tilespmem:$0x8580] =	vst v63  }
.Ltmp2:
0x14: {  	_ = 	snop;
	(pc) =	sbr.rel .LBB2_3-.Ltmp2, $4  }
0x15: {  	_ =	swait.ge [sflag:s8], $0x2A0  }
0x16: {  	[sflag:s8] =	ssyncset.done $0x0  }
0x17: {  	p0 =	por $0x0, $0x0;
	s12 =	simm.s32 $0x0;
	[sflag:s8] =	ssyncadd.s32 $0xFFFFFD60  }
0x18: {  	v4 =	vimm.f32 $0.0e+00;
	[tilespmem:s2], [sflag:$0x1] =	stream.linear.gather [hbm4b:s4+s2], $0x4000, $0x38;
	[tilespmem:$0x8580] =	vst v63  }
.LBB2_2:
0x19: {  	p1 =	seq.s32 s12, $0x15  }
.Ltmp3:
0x1a: {  	_ = 	snop;
	(pc) =	sbr.rel @p1 .LBB2_26-.Ltmp3, $2  }
0x1b: {  	_ =	sdelay $0x2  }
0x1c: {  	p0 =	por !p0, !p0  }
.LBB2_3:
0x1d: {  	s13 =	smov.u32 s12;
	s12 =	simm.s32 $0x1  }
0x1e: {  	s14 =	sand.u32 $0x1, s13;
	s12 =	simm.s32 @!p0 $0x0;
	p1 =	seq.s32 s13, $0x14  }
0x1f: {  	s15 =	sadd.s32 $0x1, s14;
	s16 =	sshll.u32 s12, $0x10;
	s12 =	sadd.s32 $0x1, s13  }
0x20: {  	s17 =	sxor.u32 @!p1 $0x1, s14;
	s19 =	simm.s32 @!p1 $0x0;
	_ =	swait.ge [sflag:s15], $0x4000  }
0x21: {  	s13 =	sshll.u32 s13, $0x5;
	s18 =	sshll.u32 @!p1 s17, $0xE;
	[sflag:s15] =	ssyncset.done $0x0  }
.Ltmp4:
0x22: {  	[sflag:s15] =	ssyncadd.s32 $0xFFFFC000;
	s15 =	sshll.u32 @!p1 s12, $0xB;
	(pc) =	sbr.rel .LBB2_4-.Ltmp4, $4  }
0x23: {  	s17 =	sadd.s32 @!p1 $0x1, s17;
	s31 =	sshrl.u32 s16, $0x2;
	s15 =	sadd.s32 @!p1 s15, s4  }
0x24: {  	[tilespmem:s18], [sflag:s17] =	stream.linear.gather @!p1 [hbm4b:s15+s19], $0x4000, $0x38;
	[tilespmem:$0x8580] =	vst v63  }
0x25: {  	s14 =	sshll.u32 s14, $0xE;
	s16 =	simm.s32 $0x0;
	s15 =	sadd.s32 $0x40, s31  }
0x26: {  	v5 =	vmov s14;
	s17 =	simm.s32 $0x0;
	s18 =	simm.s32 $0x0;
	s19 =	simm.s32 $0x0  }
.LBB2_11:
0x27: {  	v8 =	vimm.s32 $0x80400000;
	v7 =	vimm.s32 $0x0;
	v13 =	vimm.s32 $0x0  }
.LBB2_13:
0x28: {  	(xrf0) =	vmin.scan.msk.u32 $0xffff, v8  }
0x29: {  	v8 =	vmov s21  }
0x2a: {  	v8 =	vperm.xlane v13, v8;
	_ =	sdelay $0x3  }
0x2b: {  	(v2sf) =	vpush v8, $0x0;
	v8, _, _ =	vpop (xrf0)  }
0x2c: {  	(v2sf) =	vpush v8, $0xF  }
0x2d: {  	(v2sf) =	vpush v7, $0x0;
	_ =	sdelay $0xc  }
0x2e: {  	s0 =	spop (v2sf)  }
0x2f: {  	s1 =	spop (v2sf)  }
0x30: {  	s7 =	spop (v2sf)  }
0x31: {  	s7 =	ssub.s32 s20, s7  }
0x32: {  	s7 =	sshll.u32 s7, $0xA  }
0x33: {  	p1 =	sgt.s32 s20, $0x0;
	s0 =	sadd.s32 s7, s0  }
0x34: {  	s1 =	sxor.u32 $0x80000000, s1;
	s0 =	simm.s32 @!p1 $0x400000  }
0x35: {  	v7 =	vmov s19;
	p1 =	slt.s32 s1, s0  }
0x36: {  	v8 =	vshll.u32 v7, $0x9;
	s0 =	smov.u32 @p1 s1  }
0x37: {  	v7 =	vshll.u32 v7, $0x7;
	v8 =	vand.u32 $0x3000, v8;
	s0 =	sand.u32 $0x3FF, s0  }
0x38: {  	v7 =	vand.u32 $0x380, v7;
	v8 =	vor.u32 v5, v8;
	v9 =	vmov s0  }
0x39: {  	v7 =	vor.u32 v7, v8;
	v10 =	vand.u32 $0x7F, v9;
	v9 =	vshll.u32 v9, $0x3  }
0x3a: {  	v8 =	vand.u32 $0x1C00, v9;
	v7 =	vor.u32 v10, v7  }
0x3b: {  	v7 =	vadd.s32 v8, v7;
	_ =	sdelay $0x4  }
0x3c: {  	v7 =	vld.idx.msk [tilespmem:v7+s2+$0x0], $0xffff;
	_ =	sdelay $0x4  }
0x3d: {  	vm2 =	vgt.s32 v6, $0x0;
	v6 =	vadd.f32 $-1.000000000e+00, v7  }
0x3e: {  	vm2 =	vmand vm2, vm0  }
0x3f: {  	v6 =	vnsel vm2, $0x0, v6  }
.LBB2_14:
0x40: {  	s19 =	sadd.s32 $0x1, s19  }
0x41: {  	p1 =	seq.s32 s19, $0x20  }
.Ltmp5:
0x42: {  	_ = 	snop;
	(pc) =	sbr.rel @p1 .LBB2_2-.Ltmp5, $2  }
0x43: {  	_ =	sdelay $0x2  }
0x44: {  	s18 =	sadd.s32 $0x200, s18;
	s17 =	sadd.s32 $0x1, s17;
	v4 =	vadd.f32 v6, v4  }
.LBB2_4:
0x45: {  	s20 =	sadd.s32 s13, s19;
	s21 =	sand.u32 $0xF, s19  }
0x46: {  	p1 =	seq.s32 s20, $0x0;
	p2 =	sne.s32 s21, $0x0  }
0x47: {  	p1 =	por !p1, !p2  }
0x48: {  	s22 =	simm.s32 $0x1;
	p1 =	por !p1, !p1  }
0x49: {  	s20 =	sshrl.u32 s20, $0x4;
	s22 =	simm.s32 @!p1 $0x0  }
0x4a: {  	s20 =	ssub.s32 s20, s22  }
0x4b: {  	s20 =	sshll.u32 s20, $0x6  }
0x4c: {  	s20 =	sshra.s32 s20, $0x2  }
0x4d: {  	v6 =	vld [tilespmem:s20+$0x8200];
	_ =	sdelay $0x3  }
0x4e: {  	v7 =	vmov s21  }
0x4f: {  	v6 =	vperm.xlane v6, v7;
	_ =	sdelay $0x1  }
0x50: {  	(v2sf) =	vpush v6, $0x0;
	_ =	sdelay $0xe  }
0x51: {  	s31 =	spop (v2sf)  }
0x52: {  	p1 =	sne.s32 s31, $0x0  }
.Ltmp6:
0x53: {  	_ = 	snop;
	(pc) =	sbr.rel @!p1 .LBB2_8-.Ltmp6, $1  }
0x54: {  	_ =	sdelay $0x3  }
0x55: {  	s20 =	sshll.u32 s18, $0x2;
	s21 =	sand.u32 $0x7, s17  }
0x56: {  	s20 =	sand.u32 $0xFFFFC000, s20;
	s21 =	sshll.u32 s21, $0x9  }
0x57: {  	s20 =	sor.u32 s21, s20  }
0x58: {  	s20 =	sshrl.u32 s20, $0x2  }
0x59: {  	s31 =	sadd.s32 s20, s15  }
0x5a: {  	v10 =	vld [tilespmem:s31+$0xFFFFFFC0]  }
0x5b: {  	v11 =	vld [tilespmem:s31+$0xFFFFFFD0]  }
0x5c: {  	v12 =	vld [tilespmem:s31+$0xFFFFFFE0]  }
0x5d: {  	v8 =	vld [tilespmem:s31+$0xFFFFFFF0]  }
0x5e: {  	v9 =	vimm.f32 $-Inf;
	v7 =	vld [tilespmem:s31+$0x0]  }
0x5f: {  	v10 =	vmax.f32 v9, v10;
	v9 =	vld [tilespmem:s31+$0x10]  }
0x60: {  	v11 =	vmax.f32 v10, v11;
	v10 =	vld [tilespmem:s31+$0x20]  }
0x61: {  	s20 =	simm.s32 $0x0;
	s21 =	sadd.s32 $0x400, s31;
	v12 =	vmax.f32 v11, v12;
	v11 =	vld [tilespmem:s31+$0x30]  }
.LBB2_6:
0x62: {  	v13 =	vld [tilespmem:s21+$0xFFFFFFC0];
	s20 =	sadd.s32 $0x8, s20;
	v8 =	vmax.f32 v12, v8  }
0x63: {  	v12 =	vld [tilespmem:s21+$0xFFFFFFD0];
	p1 =	slt.u32 s20, $0x18;
	v7 =	vmax.f32 v8, v7  }
0x64: {  	v14 =	vld [tilespmem:s21+$0xFFFFFFE0];
	v7 =	vmax.f32 v7, v9  }
.Ltmp7:
0x65: {  	v8 =	vld [tilespmem:s21+$0xFFFFFFF0];
	v9 =	vmax.f32 v7, v10;
	(pc) =	sbr.rel @p1 .LBB2_6-.Ltmp7, $4  }
0x66: {  	v7 =	vld [tilespmem:s21+$0x0];
	v9 =	vmax.f32 v9, v11  }
0x67: {  	v10 =	vmax.f32 v9, v13;
	v9 =	vld [tilespmem:s21+$0x10]  }
0x68: {  	v11 =	vmax.f32 v10, v12;
	v10 =	vld [tilespmem:s21+$0x20]  }
0x69: {  	v12 =	vmax.f32 v11, v14;
	v11 =	vld [tilespmem:s21+$0x30];
	s21 =	sadd.s32 $0x400, s21  }
0x6a: {  	v8 =	vmax.f32 v12, v8  }
0x6b: {  	v7 =	vmax.f32 v8, v7  }
0x6c: {  	v7 =	vmax.f32 v7, v9  }
0x6d: {  	v7 =	vmax.f32 v7, v10  }
0x6e: {  	v7 =	vmax.f32 v7, v11  }
0x6f: {  	(xrf0) =	vmax.scan.msk.f32 $0xffff, v7;
	_ =	sdelay $0x5  }
0x70: {  	v7, _, _ =	vpop (xrf0)  }
0x71: {  	(v2sf) =	vpush v7, $0xF;
	_ =	sdelay $0xe  }
0x72: {  	s0 =	spop (v2sf)  }
0x73: {  	p1 =	slt.f32 s0, $1.000000000e+00  }
.Ltmp8:
0x74: {  	vm2 =	vmmov vm1;
	(pc) =	sbr.rel .LBB2_14-.Ltmp8, $4  }
0x75: {  	vm3 =	veq.s32 v6, $0x1;
	s0 =	ssub.f32 $1.000000000e+00, s0;
	vm2 =	vmneg @p1 vm2  }
0x76: {  	vm2 =	vmand vm3, vm2  }
0x77: {  	v6 =	vmov s0;
	vm2 =	vmand vm2, vm0  }
0x78: {  	v6 =	vnsel vm2, $0x0, v6  }
.LBB2_8:
0x79: {  	s20 =	sshll.u32 s19, $0x7  }
0x7a: {  	s20 =	sand.u32 $0x380, s20  }
0x7b: {  	s21 =	sshll.u32 s19, $0x9;
	v6 =	vmov s20  }
0x7c: {  	s1 =	sand.u32 $0x3000, s21  }
0x7d: {  	s22 =	simm.s32 $0x30;
	s7 =	sand.u32 $0xC00, s16;
	s25 =	sadd.s32 s1, s14  }
0x7e: {  	s24 =	simm.s32 $0x0;
	s10 =	sand.u32 $0x70, s22;
	s20 =	sadd.s32 s7, s25  }
0x7f: {  	s23 =	simm.s32 $0x10;
	s26 =	sand.u32 $0x40, s24;
	s21 =	sadd.s32 s10, s20  }
0x80: {  	s28 =	simm.s32 $0x20;
	s29 =	sand.u32 $0x50, s23;
	s26 =	sadd.s32 s26, s20;
	v7 =	vld.idx.msk [tilespmem:v6+s21+$0x0 ss:$0x1], $0xffff  }
0x81: {  	s31 =	sand.u32 $0x60, s28;
	s29 =	sadd.s32 s29, s20;
	v8 =	vld.idx.msk [tilespmem:v6+s26+$0x0 ss:$0x1], $0xffff  }
0x82: {  	s20 =	sadd.s32 s31, s20;
	v9 =	vld.idx.msk [tilespmem:v6+s29+$0x0 ss:$0x1], $0xffff  }
0x83: {  	v10 =	vld.idx.msk [tilespmem:v6+s20+$0x0 ss:$0x1], $0xffff;
	_ =	sdelay $0x2  }
0x84: {  	vm2 =	vge.f32 v7, $1.000000000e+00  }
0x85: {  	vm3 =	vge.f32 v8, $1.000000000e+00;
	vm6 =	vge.f32 v9, $1.000000000e+00;
	v7 =	vsel vm2, $0x1, v0  }
0x86: {  	s0 =	simm.s32 $0x200;
	vm5 =	vge.f32 v10, $1.000000000e+00;
	v10 =	vimm.s32 $0x0;
	v8 =	vsel vm3, $0x1, v0;
	(xrf0) =	vadd.scan.msk.s32 $0xffff, v7  }
0x87: {  	s20 =	simm.s32 $0x70;
	s21 =	sand.u32 $0xC00, s0;
	v9 =	vmpcnt.ones.xlane vm3;
	v11 =	vsel vm5, $0x1, v0;
	v7 =	vsel vm6, $0x1, v0;
	(xrf0) =	vadd.scan.msk.s32 $0xffff, v8  }
0x88: {  	s1 =	sand.u32 $0x70, s20;
	s29 =	sadd.s32 s21, s25;
	v12 =	vmpcnt.ones.xlane vm5;
	v13 =	vmpcnt.ones.xlane vm6;
	vm4 =	vmmov vm2;
	(xrf0) =	vadd.scan.msk.s32 $0xffff, v7  }
0x89: {  	v8 =	vor.u32 s24, v1;
	s24 =	sadd.s32 s1, s29;
	v14 =	vadd.s32 v10, v9;
	(xrf0) =	vadd.scan.msk.s32 $0xffff, v11;
	v11 =	vmpcnt.ones.xlane vm4  }
0x8a: {  	s7 =	simm.s32 $0x40;
	v16 =	vld.idx.msk [tilespmem:v6+s24+$0x0 ss:$0x1], $0xffff;
	v18 =	vadd.s32 v14, v13  }
0x8b: {  	s30 =	sand.u32 $0x40, s7;
	v12 =	vadd.s32 v18, v12  }
0x8c: {  	s21 =	simm.s32 $0x50;
	s30 =	sadd.s32 s30, s29;
	v13, _, _ =	vpop (xrf0)  }
0x8d: {  	s10 =	sand.u32 $0x50, s21;
	v19 =	vld.idx.msk [tilespmem:v6+s30+$0x0 ss:$0x1], $0xffff;
	v17 =	vadd.s32 v12, v11;
	v15 =	vadd.s32 v13, v12;
	v11, _, _ =	vpop (xrf0);
	v13 =	vor.u32 s22, v1;
	s22 =	simm.s32 $0x60  }
0x8e: {  	s26 =	sadd.s32 s10, s29;
	vm2 =	vmmov vm5;
	vm5 =	vmmov vm3;
	v12, _, _ =	vpop (xrf0);
	s31 =	sand.u32 $0x60, s22  }
0x8f: {  	v21 =	vld.idx.msk [tilespmem:v6+s26+$0x0 ss:$0x1], $0xffff;
	v9 =	vor.u32 s28, v1;
	vm8 =	vge.f32 v16, $1.000000000e+00;
	v12 =	vadd.s32 v12, v14;
	v14, _, _ =	vpop (xrf0);
	s28 =	sadd.s32 s31, s29  }
0x90: {  	v10 =	vadd.s32 v11, v10;
	v15 =	vadd.s32 $0xFFFFFFFF, v15;
	v14 =	vadd.s32 v14, v18;
	v18 =	vld.idx.msk [tilespmem:v6+s28+$0x0 ss:$0x1], $0xffff  }
0x91: {  	vm3 =	vmmov vm6;
	v16 =	vsel vm8, $0x1, v0;
	v11 =	vadd.s32 $0xFFFFFFFF, v10  }
0x92: {  	vm6 =	vge.f32 v19, $1.000000000e+00;
	v12 =	vadd.s32 $0xFFFFFFFF, v12  }
0x93: {  	s26 =	simm.s32 $0x8;
	v7 =	vor.u32 s7, v1;
	s24 =	simm.s32 $0xA0;
	v10 =	vor.u32 s23, v1;
	s23 =	simm.s32 $0xB0;
	v14 =	vadd.s32 $0xFFFFFFFF, v14  }
0x94: {  	v19 =	vsel vm6, $0x1, v0;
	v20 =	vmpcnt.ones.xlane vm6;
	vm7 =	vge.f32 v21, $1.000000000e+00;
	s29 =	sand.u32 $0x60, s24;
	(xrf0) =	vadd.scan.msk.s32 $0xffff, v16;
	s30 =	sand.u32 $0x70, s23;
	s28 =	simm.s32 $0x400;
	v16 =	vmovc v17  }
.LBB2_9:
0x95: {  	s31 =	sadd.s32 $0xFFFFFFD0, s23;
	s1 =	sand.u32 $0xC00, s28;
	s0 =	sadd.s32 $0xFFFFFFE0, s23;
	v21 =	vsel vm7, $0x1, v0;
	vm9 =	vge.f32 v18, $1.000000000e+00;
	(xrf0) =	vadd.scan.msk.s32 $0xffff, v19;
	[tilespmem:v15+s9+$0x0] =	vst.idx.msk vm4, v13  }
0x96: {  	s7 =	sand.u32 $0x40, s31;
	s1 =	sadd.s32 s1, s25;
	s10 =	sand.u32 $0x50, s0;
	v13 =	vsel vm9, $0x1, v0;
	v15 =	vmpcnt.ones.xlane vm9;
	(xrf0) =	vadd.scan.msk.s32 $0xffff, v21;
	[tilespmem:v11+s9+$0x0] =	vst.idx.msk vm5, v8;
	v8 =	vmovc v7  }
0x97: {  	v7 =	vor.u32 s31, v1;
	v11 =	vmpcnt.ones.xlane vm7;
	s7 =	sadd.s32 s7, s1;
	s10 =	sadd.s32 s10, s1;
	s30 =	sadd.s32 s30, s1;
	(xrf0) =	vadd.scan.msk.s32 $0xffff, v13;
	[tilespmem:v12+s9+$0x0] =	vst.idx.msk vm3, v10  }
0x98: {  	s26 =	sadd.s32 $0x4, s26;
	vm4 =	vmmov vm8;
	v19 =	vadd.s32 v17, v20;
	s1 =	sadd.s32 s29, s1;
	v12 =	vld.idx.msk [tilespmem:v6+s30+$0x0 ss:$0x1], $0xffff;
	[tilespmem:v14+s9+$0x0] =	vst.idx.msk vm2, v9;
	vm2 =	vmmov vm9  }
0x99: {  	p1 =	slt.u32 s26, $0x1C;
	v22 =	vmpcnt.ones.xlane vm4;
	vm5 =	vmmov vm6;
	v20 =	vadd.s32 v19, v11;
	v14 =	vld.idx.msk [tilespmem:v6+s7+$0x0 ss:$0x1], $0xffff  }
0x9a: {  	vm3 =	vmmov vm7;
	v11 =	vadd.s32 v20, v15;
	v21 =	vld.idx.msk [tilespmem:v6+s10+$0x0 ss:$0x1], $0xffff;
	v13, _, _ =	vpop (xrf0)  }
0x9b: {  	v9 =	vor.u32 s22, v1;
	s22 =	smov.u32 s24;
	v17 =	vadd.s32 v11, v22;
	v18 =	vld.idx.msk [tilespmem:v6+s1+$0x0 ss:$0x1], $0xffff;
	v15 =	vadd.s32 v13, v11;
	v10, _, _ =	vpop (xrf0)  }
.Ltmp9:
0x9c: {  	v13 =	vor.u32 s20, v1;
	s20 =	smov.u32 s23;
	v10 =	vadd.s32 v10, v16;
	v15 =	vadd.s32 $0xFFFFFFFF, v15;
	v16, _, _ =	vpop (xrf0);
	(pc) =	sbr.rel @p1 .LBB2_9-.Ltmp9, $4  }
0x9d: {  	v11 =	vadd.s32 $0xFFFFFFFF, v10;
	v10 =	vor.u32 s21, v1;
	v22 =	vadd.s32 v16, v19;
	v19, _, _ =	vpop (xrf0);
	s21 =	smov.u32 s0  }
0x9e: {  	s23 =	sadd.s32 $0x40, s23;
	vm8 =	vge.f32 v12, $1.000000000e+00;
	v16 =	vmovc v17;
	v12 =	vadd.s32 $0xFFFFFFFF, v22;
	v19 =	vadd.s32 v19, v20  }
0x9f: {  	s24 =	sadd.s32 $0xFFFFFFF0, s23;
	vm6 =	vge.f32 v14, $1.000000000e+00;
	v22 =	vsel vm8, $0x1, v0;
	v14 =	vadd.s32 $0xFFFFFFFF, v19  }
0xa0: {  	s28 =	sadd.s32 $0x200, s28;
	s30 =	sand.u32 $0x70, s23;
	s29 =	sand.u32 $0x60, s24;
	v19 =	vsel vm6, $0x1, v0;
	v20 =	vmpcnt.ones.xlane vm6;
	vm7 =	vge.f32 v21, $1.000000000e+00;
	(xrf0) =	vadd.scan.msk.s32 $0xffff, v22  }
0xa1: {  	_ = 	snop  }
0xa2: {  	s0 =	sand.u32 $0xC00, s28  }
0xa3: {  	s26 =	sadd.s32 $0xFFFFFFD0, s23;
	s0 =	sadd.s32 s0, s25  }
0xa4: {  	s25 =	sadd.s32 $0xFFFFFFE0, s23;
	s1 =	sand.u32 $0x40, s26;
	s7 =	sadd.s32 s30, s0  }
0xa5: {  	s10 =	sand.u32 $0x50, s25;
	s1 =	sadd.s32 s1, s0;
	v21 =	vld.idx.msk [tilespmem:v6+s7+$0x0 ss:$0x1], $0xffff  }
0xa6: {  	s28 =	sadd.s32 s10, s0;
	v22 =	vld.idx.msk [tilespmem:v6+s1+$0x0 ss:$0x1], $0xffff  }
0xa7: {  	s0 =	sadd.s32 s29, s0;
	v23 =	vld.idx.msk [tilespmem:v6+s28+$0x0 ss:$0x1], $0xffff  }
0xa8: {  	vm13 =	vge.f32 v18, $1.000000000e+00;
	v34 =	vmpcnt.ones.xlane vm7;
	v6 =	vld.idx.msk [tilespmem:v6+s0+$0x0 ss:$0x1], $0xffff  }
0xa9: {  	vm9 =	vmmov vm8;
	v24 =	vmpcnt.ones.xlane vm13;
	v17 =	vadd.s32 v17, v20  }
0xaa: {  	v35 =	vmpcnt.ones.xlane vm9;
	v18 =	vadd.s32 v17, v34  }
0xab: {  	v24 =	vadd.s32 v18, v24;
	vm12 =	vge.f32 v22, $1.000000000e+00  }
0xac: {  	v20 =	vadd.s32 v24, v35;
	v22 =	vmpcnt.ones.xlane vm12;
	vm11 =	vge.f32 v23, $1.000000000e+00  }
0xad: {  	vm14 =	vge.f32 v21, $1.000000000e+00;
	vm10 =	vge.f32 v6, $1.000000000e+00;
	v6 =	vmpcnt.ones.xlane vm11  }
0xae: {  	vm8 =	vmmov vm14;
	v36 =	vmpcnt.ones.xlane vm10;
	v22 =	vadd.s32 v20, v22  }
0xaf: {  	v37 =	vadd.s32 v22, v6;
	v6 =	vmpcnt.ones.xlane vm8  }
0xb0: {  	v21 =	vadd.s32 v37, v36  }
0xb1: {  	v6 =	vadd.s32 v21, v6  }
0xb2: {  	(v2sf) =	vpush v6, $0x0;
	_ =	sdelay $0x7  }
0xb3: {  	v25 =	vsel vm7, $0x1, v0;
	(xrf0) =	vadd.scan.msk.s32 $0xffff, v19  }
0xb4: {  	(xrf0) =	vadd.scan.msk.s32 $0xffff, v25  }
0xb5: {  	v38 =	vsel vm13, $0x1, v0  }
0xb6: {  	(xrf0) =	vadd.scan.msk.s32 $0xffff, v38;
	v39 =	vsel vm14, $0x1, v0  }
0xb7: {  	v40 =	vsel vm12, $0x1, v0;
	(xrf0) =	vadd.scan.msk.s32 $0xffff, v39  }
0xb8: {  	v41, _, _ =	vpop (xrf0);
	v26 =	vsel vm11, $0x1, v0;
	(xrf0) =	vadd.scan.msk.s32 $0xffff, v40  }
0xb9: {  	v42, _, _ =	vpop (xrf0);
	v43 =	vsel vm10, $0x1, v0;
	(xrf0) =	vadd.scan.msk.s32 $0xffff, v26  }
0xba: {  	[tilespmem:v11+s9+$0x0] =	vst.idx.msk vm5, v8;
	v8 =	vor.u32 s20, v1;
	v24 =	vadd.s32 v41, v24;
	v44, _, _ =	vpop (xrf0);
	(xrf0) =	vadd.scan.msk.s32 $0xffff, v43;
	s20 =	spop (v2sf)  }
0xbb: {  	v16 =	vadd.s32 v42, v16;
	v24 =	vadd.s32 $0xFFFFFFFF, v24;
	vm14 =	vmmov vm6;
	s30 =	sadd.s32 $0xF, s20  }
0xbc: {  	v50 =	vor.u32 s21, v1;
	v17 =	vadd.s32 v44, v17;
	v45, _, _ =	vpop (xrf0);
	v46 =	vadd.s32 $0xFFFFFFFF, v16;
	s21 =	sand.u32 $0xF, s30  }
0xbd: {  	[tilespmem:v15+s9+$0x0] =	vst.idx.msk vm4, v13;
	v47 =	vadd.s32 $0xFFFFFFFF, v17;
	v48 =	vadd.s32 v45, v18;
	v49, _, _ =	vpop (xrf0);
	s31 =	sshra.s32 s30, $0x1F;
	p1 =	slt.s32 s30, $0x1;
	p2 =	sne.s32 s21, $0x0  }
0xbe: {  	[tilespmem:v12+s9+$0x0] =	vst.idx.msk vm3, v10;
	v51 =	vadd.s32 $0xFFFFFFFF, v48;
	v52 =	vadd.s32 v49, v21;
	v53, _, _ =	vpop (xrf0);
	s1 =	sshrl.u32 s31, $0x1C;
	p1 =	por !p1, !p2  }
0xbf: {  	[tilespmem:v14+s9+$0x0] =	vst.idx.msk vm2, v9;
	v54 =	vadd.s32 v53, v20;
	v55 =	vadd.s32 $0xFFFFFFFF, v52;
	v56, _, _ =	vpop (xrf0);
	s0 =	sadd.s32 s1, s30;
	s1 =	simm.s32 $0x1;
	p1 =	por !p1, !p1  }
0xc0: {  	[tilespmem:v24+s9+$0x0] =	vst.idx.msk vm9, v8;
	v8 =	vadd.s32 $0xFFFFFFFF, v54;
	v57 =	vadd.s32 v56, v22;
	v58, _, _ =	vpop (xrf0);
	s0 =	sshra.s32 s0, $0x4;
	s1 =	simm.s32 @!p1 $0x0  }
0xc1: {  	v61 =	vor.u32 s23, v1;
	[tilespmem:v46+s9+$0x0] =	vst.idx.msk vm14, v7;
	v7 =	vadd.s32 $0xFFFFFFFF, v57;
	v59 =	vadd.s32 v58, v37;
	s23 =	ssub.s32 s0, s1  }
0xc2: {  	v60 =	vor.u32 s22, v1;
	[tilespmem:v47+s9+$0x0] =	vst.idx.msk vm7, v50;
	v9 =	vadd.s32 $0xFFFFFFFF, v59;
	p1 =	slt.s32 s23, $0x1  }
.Ltmp10:
0xc3: {  	[tilespmem:v51+s9+$0x0] =	vst.idx.msk vm13, v60;
	(pc) =	sbr.rel @p1 .LBB2_11-.Ltmp10, $4  }
0xc4: {  	v62 =	vor.u32 s26, v1;
	[tilespmem:v55+s9+$0x0] =	vst.idx.msk vm8, v61  }
0xc5: {  	vm15 =	vmmov vm13;
	v63 =	vor.u32 s25, v1;
	[tilespmem:v8+s9+$0x0] =	vst.idx.msk vm12, v62  }
0xc6: {  	vm15 =	vmmov vm7;
	v8 =	vor.u32 s24, v1;
	[tilespmem:v7+s9+$0x0] =	vst.idx.msk vm11, v63  }
0xc7: {  	vm2 =	vmmov vm12;
	vm3 =	vmmov vm11;
	vm15 =	vmmov vm10;
	[tilespmem:v9+s9+$0x0] =	vst.idx.msk vm10, v8  }
0xc8: {  	p4 =	seq.s32 s23, $0x1  }
.Ltmp11:
0xc9: {  	_ = 	snop;
	(pc) =	sbr.rel @p4 .LBB2_16-.Ltmp11, $3  }
0xca: {  	_ =	sdelay $0x1  }
0xcb: {  	s24 =	simm.s32 $0x8000;
	s22 =	simm.s32 $0x0;
	s23 =	sadd.s32 $0xFFFFFFFF, s23  }
0xcc: {  	v8 =	vimm.s32 $0x0;
	v7 =	vimm.s32 $0x400000;
	p1 =	por $0x0, $0x0;
	p2 =	por $0x0, $0x0;
	p3 =	por $0x0, $0x0;
	v14 =	vld [tilespmem:s24+$0x0]  }
0xcd: {  	_ =	sdelay $0x3  }
0xce: {  	v9 =	vperm.xlane v14, v2;
	_ =	sdelay $0x1  }
0xcf: {  	p4 =	seq.s32 s23, $0x1;
	v9 =	vsel vm0, v8, v9  }
.Ltmp12:
0xd0: {  	v10 =	vor.u32 s22, v1;
	v11 =	vsub.s32 v14, v9;
	(pc) =	sbr.rel @p4 .LBB2_18-.Ltmp12, $4  }
0xd1: {  	vm3 =	vgt.s32 v10, $0x0;
	vm2 =	vgt.s32 v11, $0x5  }
0xd2: {  	vm4 =	vlt.s32 v10, v6;
	v11 =	vmov s22;
	vm2 =	vmand vm3, vm2  }
0xd3: {  	s0 =	simm.s32 $0x8010;
	vm3 =	veq.s32 v11, v1;
	vm4 =	vmand vm4, vm2  }
0xd4: {  	s24 =	sadd.s32 $0xFFFFFFFF, s23;
	p1 =	por $0x1, $0x1;
	v23 =	vld [tilespmem:s0+$0x0];
	v18 =	vxor.u32 $0x80000000, v10;
	vm5 =	vmor vm3, vm4  }
0xd5: {  	_ =	sdelay $0x3  }
0xd6: {  	v12 =	vnsel vm5, $0x80000000, v18;
	v13 =	vperm.xlane v14, v3;
	v11 =	vperm.xlane v23, v2  }
0xd7: {  	(xrf0) =	vmax.scan.msk.u32 $0xffff, v12  }
0xd8: {  	s23 =	simm.s32 $0x10;
	p4 =	seq.s32 s24, $0x1;
	v11 =	vsel vm0, v13, v11  }
.Ltmp13:
0xd9: {  	v12 =	vor.u32 s23, v1;
	v13 =	vsub.s32 v23, v11;
	(pc) =	sbr.rel @p4 .LBB2_20-.Ltmp13, $4  }
0xda: {  	vm2 =	vmmov vm4;
	vm4 =	vgt.s32 v12, $0x0;
	vm3 =	vgt.s32 v13, $0x5  }
0xdb: {  	s0 =	simm.s32 $0x8020;
	vm5 =	vlt.s32 v12, v6;
	v13 =	vmov s23;
	vm3 =	vmand vm4, vm3  }
0xdc: {  	v16 =	vld [tilespmem:s0+$0x0];
	vm6 =	veq.s32 v13, v1;
	vm4 =	vmand vm5, vm3  }
0xdd: {  	s25 =	sadd.s32 $0xFFFFFFFF, s24;
	p2 =	por $0x1, $0x1;
	v18 =	vxor.u32 $0x80000000, v12;
	v14, _, _ =	vpop (xrf0);
	vm5 =	vmor vm6, vm4  }
0xde: {  	v13 =	vxor.u32 $0x80000000, v14  }
0xdf: {  	v15 =	vperm.xlane v13, v2  }
0xe0: {  	vm6 =	vmmov vm2;
	v19 =	vperm.xlane v23, v3;
	vm3 =	vmmov vm4  }
0xe1: {  	v18 =	vnsel vm5, $0x80000000, v18;
	s23 =	simm.s32 $0x20;
	v17 =	vperm.xlane v16, v2;
	vm4 =	vgt.s32 v15, v8  }
0xe2: {  	v21 =	vmov s23;
	(xrf0) =	vmax.scan.msk.u32 $0xffff, v18;
	v22 =	vor.u32 s23, v1;
	v15 =	vsel vm4, v15, v8  }
0xe3: {  	p4 =	seq.s32 s25, $0x1;
	vm5 =	vgt.s32 v22, $0x0;
	v20 =	vsel vm0, v19, v17;
	v15 =	vsel vm0, v8, v15  }
.Ltmp14:
0xe4: {  	vm7 =	vlt.s32 v22, v6;
	v17 =	vsub.s32 v16, v20;
	v15 =	vsub.s32 v10, v15;
	(pc) =	sbr.rel @p4 .LBB2_22-.Ltmp14, $4  }
0xe5: {  	s24 =	simm.s32 $0x8030;
	v18 =	vxor.u32 $0x80000000, v22;
	vm4 =	vgt.s32 v17, $0x5;
	v15 =	vshll.u32 v15, $0xA  }
0xe6: {  	vm4 =	vmand vm5, vm4;
	vm5 =	veq.s32 v21, v1;
	v21 =	vperm.xlane v13, v3;
	v13 =	vld [tilespmem:s24+$0x0]  }
0xe7: {  	v17 =	vimm.s32 $0x0;
	v15 =	vadd.s32 v9, v15;
	vm4 =	vmand vm7, vm4  }
0xe8: {  	s25 =	sadd.s32 $0xFFFFFFFF, s25;
	p3 =	por $0x1, $0x1;
	v24, _, _ =	vpop (xrf0);
	v19 =	vnsel vm6, $0x400000, v15;
	v15 =	vimm.s32 $0x400000;
	vm5 =	vmor vm5, vm4  }
.LBB2_23:
0xe9: {  	v23 =	vxor.u32 $0x80000000, v24;
	vm7 =	vlt.s32 v15, v19  }
0xea: {  	p4 =	seq.s32 s25, $0x1;
	vm8 =	vgt.s32 v17, v21;
	vm6 =	vmmov vm3;
	vm3 =	vmmov vm4  }
0xeb: {  	v24 =	vperm.xlane v23, v2;
	v15 =	vsel vm7, v15, v19;
	v17 =	vsel vm8, v17, v21  }
0xec: {  	v18 =	vnsel vm5, $0x80000000, v18;
	s23 =	sadd.s32 $0x10, s23;
	v21 =	vperm.xlane v16, v3;
	v19 =	vperm.xlane v13, v2;
	v16 =	vmovc v13  }
0xed: {  	v13 =	vmov s23;
	(xrf0) =	vmax.scan.msk.u32 $0xffff, v18;
	vm4 =	vgt.s32 v24, v17  }
0xee: {  	v18 =	vor.u32 s23, v1;
	v19 =	vsel vm0, v21, v19;
	v21 =	vsel vm4, v24, v17  }
.Ltmp15:
0xef: {  	vm5 =	veq.s32 v13, v1;
	v24 =	vsub.s32 v16, v19;
	v13 =	vsel vm0, v17, v21;
	(pc) =	sbr.rel @!p4 .LBB2_23-.Ltmp15, $4  }
0xf0: {  	s24 =	sadd.s32 $0x10, s24;
	vm7 =	vgt.s32 v18, $0x0;
	vm4 =	vgt.s32 v24, $0x5;
	v21 =	vsub.s32 v12, v13;
	v12 =	vmovc v22;
	v22 =	vmovc v18  }
0xf1: {  	v13 =	vld [tilespmem:s24+$0x0];
	vm8 =	vlt.s32 v22, v6;
	vm4 =	vmand vm7, vm4;
	v18 =	vshll.u32 v21, $0xA  }
0xf2: {  	v21 =	vperm.xlane v23, v3;
	vm4 =	vmand vm8, vm4;
	v25 =	vadd.s32 v11, v18;
	v11 =	vmovc v20;
	v20 =	vmovc v19  }
0xf3: {  	s25 =	sadd.s32 $0xFFFFFFFF, s25;
	v18 =	vxor.u32 $0x80000000, v22;
	vm5 =	vmor vm5, vm4;
	v24, _, _ =	vpop (xrf0);
	v19 =	vnsel vm6, $0x400000, v25  }
0xf4: {  	v26 =	vmovc v12;
	v25 =	vmovc v11;
	v23 =	vmov v16;
	v12 =	vmov v22;
	v11 =	vmov v20  }
.LBB2_25:
0xf5: {  	v16 =	vperm.xlane @p1 v23, v3  }
0xf6: {  	v20 =	vperm.xlane v13, v2  }
0xf7: {  	v22 =	vxor.u32 @p2 $0x80000000, v24;
	vm6 =	vgt.s32 @p3 v17, v21;
	s0 =	sadd.s32 @p1 $0x10, s23;
	v16 =	vpsel p1, v16, v8  }
0xf8: {  	v18 =	vnsel @p1 vm5, $0x80000000, v18;
	v17 =	vsel @p3 vm6, v17, v21;
	s22 =	smov.u32 @p1 s0;
	v16 =	vsel vm0, v16, v20  }
0xf9: {  	v17 =	vpsel p3, v17, v8;
	v60 =	vor.u32 s22, v1;
	v59 =	vsub.s32 v13, v16  }
0xfa: {  	v20 =	vperm.xlane @p2 v22, v2;
	vm7 =	vgt.s32 v60, $0x0;
	vm12 =	vgt.s32 v59, $0x5  }
0xfb: {  	(xrf0) =	vmax.scan.msk.u32 @p1 $0xffff, v18;
	v61 =	vmov s22;
	vm13 =	vlt.s32 v60, v6;
	vm5 =	vmand vm7, vm12  }
0xfc: {  	vm14 =	veq.s32 v61, v1;
	vm6 =	vgt.s32 @p2 v20, v17;
	vm5 =	vmand vm13, vm5  }
0xfd: {  	v62 =	vxor.u32 $0x80000000, v60;
	v20 =	vsel @p2 vm6, v20, v17;
	vm6 =	vmor vm14, vm5  }
0xfe: {  	v18 =	vsel @p2 vm0, v17, v20;
	v20 =	vnsel vm6, $0x80000000, v62  }
0xff: {  	vm3 =	vmmov @p2 vm3;
	vm4 =	vmmov @p1 vm4;
	v10 =	vpsel p1, v12, v10  }
0x100: {  	v22 =	vperm.xlane @p2 v22, v3;
	vm7 =	vlt.s32 @p3 v15, v19;
	v18 =	vsub.s32 @p2 v26, v18;
	(xrf0) =	vmax.scan.msk.u32 $0xffff, v20  }
0x101: {  	vm2 =	vmmov @p1 vm4;
	v15 =	vsel @p3 vm7, v15, v19;
	v18 =	vshll.u32 @p2 v18, $0xA;
	v20, _, _ =	vpop @p1 (xrf0)  }
0x102: {  	v19 =	vpsel p2, v22, v0;
	v18 =	vadd.s32 @p2 v25, v18;
	v14 =	vpsel p1, v20, v14  }
0x103: {  	v18 =	vnsel @p2 vm3, $0x400000, v18;
	vm3 =	vgt.s32 @p2 v17, v19;
	v14 =	vxor.u32 @p1 $0x80000000, v14  }
0x104: {  	v17 =	vsel @p2 vm3, v17, v19;
	v20 =	vperm.xlane @p1 v14, v2;
	v14 =	vperm.xlane @p1 v14, v3  }
0x105: {  	v9 =	vpsel p1, v11, v9;
	vm2 =	vmmov @p1 vm2;
	v12 =	vpsel p2, v17, v8  }
0x106: {  	v15 =	vpsel p3, v15, v7;
	v11, _, _ =	vpop (xrf0);
	vm3 =	vgt.s32 @p1 v20, v12;
	v14 =	vpsel p1, v14, v0  }
0x107: {  	v11 =	vxor.u32 $0x80000000, v11;
	v17 =	vsel @p1 vm3, v20, v12;
	vm3 =	vgt.s32 @p1 v12, v14  }
0x108: {  	v63 =	vperm.xlane v11, v2;
	v17 =	vsel @p1 vm0, v12, v17;
	v12 =	vsel @p1 vm3, v12, v14  }
0x109: {  	vm5 =	vmmov vm5;
	v10 =	vsub.s32 @p1 v10, v17;
	v12 =	vpsel p1, v12, v8  }
0x10a: {  	v18 =	vpsel p2, v18, v0;
	v8 =	vshll.u32 @p1 v10, $0xA;
	vm15 =	vgt.s32 v63, v12  }
0x10b: {  	vm3 =	vlt.s32 @p2 v15, v18;
	v8 =	vadd.s32 @p1 v9, v8;
	v9 =	vsel vm15, v63, v12  }
0x10c: {  	v10 =	vsel @p2 vm3, v15, v18;
	v8 =	vnsel @p1 vm2, $0x400000, v8;
	v9 =	vsel vm0, v12, v9  }
0x10d: {  	v10 =	vpsel p2, v10, v7;
	v8 =	vpsel p1, v8, v0;
	v9 =	vsub.s32 v60, v9  }
0x10e: {  	vm3 =	vmmov vm5;
	vm2 =	vlt.s32 @p1 v10, v8;
	v9 =	vshll.u32 v9, $0xA  }
0x10f: {  	v8 =	vsel @p1 vm2, v10, v8;
	v9 =	vadd.s32 v16, v9;
	v10 =	vperm.xlane v11, v3  }
0x110: {  	v9 =	vnsel vm3, $0x400000, v9;
	v7 =	vpsel p1, v8, v7  }
0x111: {  	vm2 =	vlt.s32 v7, v9;
	vm3 =	vgt.s32 v12, v10  }
0x112: {  	v8 =	vsel vm2, v7, v9;
	v7 =	vsel vm3, v12, v10  }
.Ltmp16:
0x113: {  	(pc) =	sbr.rel .LBB2_13-.Ltmp16, $2  }
0x114: {  	_ =	sdelay $0x2  }
0x115: {  	v8 =	vxor.u32 $0x80000000, v8  }
.LBB2_16:
.Ltmp17:
0x116: {  	_ = 	snop;
	(pc) =	sbr.rel .LBB2_25-.Ltmp17, $2  }
0x117: {  	_ =	sdelay $0x2  }
0x118: {  	v15 =	vimm.s32 $0x400000;
	v17 =	vimm.s32 $0x0;
	s23 =	simm.s32 $0x0;
	v13 =	vmov v14  }
.LBB2_18:
.Ltmp18:
0x119: {  	_ = 	snop;
	(pc) =	sbr.rel .LBB2_25-.Ltmp18, $3  }
0x11a: {  	_ =	sdelay $0x1  }
0x11b: {  	v12 =	vmov v10  }
0x11c: {  	v11 =	vmovc v9;
	v15 =	vimm.s32 $0x400000;
	v17 =	vimm.s32 $0x0;
	s23 =	simm.s32 $0x0;
	v13 =	vmovc v23;
	v23 =	vmov v14  }
.LBB2_20:
.Ltmp19:
0x11d: {  	(pc) =	sbr.rel .LBB2_25-.Ltmp19, $3  }
0x11e: {  	_ =	sdelay $0x1  }
0x11f: {  	v24 =	vmov v14;
	v15 =	vimm.s32 $0x400000  }
0x120: {  	v17 =	vimm.s32 $0x0;
	vm3 =	vmmov vm2;
	v26 =	vmovc v10;
	v25 =	vmovc v9;
	v13 =	vmov v16  }
.LBB2_22:
.Ltmp20:
0x121: {  	(pc) =	sbr.rel .LBB2_25-.Ltmp20, $3  }
0x122: {  	_ =	sdelay $0x1  }
0x123: {  	v26 =	vmov v12;
	v25 =	vmov v11  }
0x124: {  	v15 =	vimm.s32 $0x400000;
	v17 =	vimm.s32 $0x0;
	v23 =	vmovc v16;
	v12 =	vmovc v22;
	v11 =	vmov v20  }
.LBB2_27:
0x125: {  	_ =	sfence.sel $0x180000  }
0x126: {  	[bflag:$0x0] =	sbarrier.arrive $0xFFFF  }
0x127: {  	_ =	strace $0x90000047  }
0x128: {  	s0 =	stileid.u32;
	[bflag:$0x2] =	sbarrier.arrive $0xFFFF  }
0x129: {  	p0 =	sne.s32 s0, $0x0;
	s0 =	rddreg [dreg:$0x3]  }
0x12a: {  	s0 =	sadd.s32 @!p0 $0x100000, s0  }
0x12b: {  	[sflag:s0] =	ssyncadd.tile.s32 @!p0 $0x1;
	_ =	shalt  }
.Lfunc_end2:
_tile_overlayer_lowered:
.L_overlay_start_2:
0x12c: {  	(tag) =	ssettag $0x2  }
0x12d: {  	s0 =	rddreg [dreg:$0x0];
	s2 =	stileid.u32  }
0x12e: {  	s1 =	rddreg [dreg:$0x1];
	p0 =	sne.s32 s2, $0x0  }
0x12f: {  	s3 =	rddreg [dreg:$0x2];
	[bflag:$0x3] =	sbarrier.arrive $0xFFFF;
	s2 =	simm.s32 @!p0 $0x1C03  }
0x130: {  	[timem:s3], [sflag:s2] =	dma.local @!p0 [hbm:s0], s1  }
0x131: {  	s0 =	simm.s32 @!p0 $0x3  }
0x132: {  	_ =	swait.ge @!p0 [sflag:s0], s1  }
0x133: {  	s1 =	ssub.s32 @!p0 $0x0, s1;
	[sflag:s0] =	ssyncset.done @!p0 $0x0  }
0x134: {  	[sflag:s0] =	ssyncadd.s32 @!p0 s1  }
0x135: {  	[bflag:$0x3] =	sbarrier.arrive $0xFFFF  }
0x136: {  	_ =	shalt  }

</sc_bundles>
